<compile_context>
chip_gen: v7x
topology: tpu7x:2x2x1
jax: 0.10.2.dev20260603
libtpu: 0.0.44.dev20260713+nightly
codegen_flags: <defaults>
</compile_context>

<pallas_src>
import jax
import jax.numpy as jnp
from jax import lax
from jax.experimental import pallas as pl
from jax.experimental.pallas import tpu as pltpu
from jax.experimental.pallas import tpu_sc as plsc

M = 1000000
D = 59
DP = 64
B = 262144

NC = 2
NS = 16
L = 16

R = 16384
RSH = 14
NFULL = M // R
REM = M - NFULL * R
NB = 62
SPLIT = 31

SLICE = B // NS
NV = SLICE // L
C = 128
TRASH = R
ALIGN_SLACK = SPLIT * 8
PV = SLICE + ALIGN_SLACK + C + L
TRASHB = PV - L

ROWS_PER_TILE = R // NS
NH = NB * L


def _body(mem, val, idx, out, idx_v, pos_v, hist_v, cnt_v, lidx, rows, acc, gsem):
    c = lax.axis_index("c")
    s = lax.axis_index("s")
    tile_base = s * SLICE
    blk_lo = SPLIT * c

    pltpu.sync_copy(idx.at[pl.ds(tile_base, SLICE)], idx_v)

    def _prefill(i, _):
        pos_v[pl.ds(i * L, L)] = jnp.zeros((L,), jnp.int32) + tile_base
        return 0

    lax.fori_loop(0, PV // L, _prefill, 0)

    def _zero(i, _):
        hist_v[pl.ds(i * L, L)] = jnp.zeros((L,), jnp.int32)
        return 0

    lax.fori_loop(0, NH // L, _zero, 0)

    def _hist(i, _):
        lanes = lax.iota(jnp.int32, L)
        iv = idx_v[pl.ds(i * L, L)]
        blk = lax.shift_right_logical(iv, RSH)
        cidx = blk * L + lanes
        plsc.addupdate_scatter(hist_v, [cidx], jnp.zeros((L,), jnp.int32) + 1)
        return 0

    lax.fori_loop(0, NV, _hist, 0)

    def _bases(j, base):
        lanes = lax.iota(jnp.int32, L)
        hv = hist_v[pl.ds(j * L, L)]
        o = j - blk_lo
        own = (o >= 0) & (o < SPLIT)
        csum = plsc.cumsum(hv)
        excl = csum - hv
        cur = jnp.where(own, base + excl, TRASHB + lanes)
        cnt_v[pl.ds(j * L, L)] = cur
        cnt8 = (jnp.sum(hv) + 7) & jnp.int32(-8)
        return base + jnp.where(own, cnt8, 0)

    lax.fori_loop(0, NB, _bases, jnp.int32(0))

    def _rank(i, _):
        lanes = lax.iota(jnp.int32, L)
        iv = idx_v[pl.ds(i * L, L)]
        blk = lax.shift_right_logical(iv, RSH)
        o = blk - blk_lo
        own = ((o >= 0) & (o < SPLIT)).astype(jnp.int32)
        cidx = blk * L + lanes
        cur = plsc.load_gather(cnt_v, [cidx])
        posvec = (tile_base + i * L) + lanes
        plsc.store_scatter(pos_v, [cur], posvec)
        plsc.addupdate_scatter(cnt_v, [cidx], own)
        return 0

    lax.fori_loop(0, NV, _rank, 0)

    def _block(k, base):
        blk = blk_lo + k
        lo = blk * R
        isp = blk >= NFULL

        @pl.when(jnp.logical_not(isp))
        def _():
            pltpu.sync_copy(
                mem.at[pl.ds(lo + s * ROWS_PER_TILE, ROWS_PER_TILE)],
                acc.at[pl.ds(s * ROWS_PER_TILE, ROWS_PER_TILE)],
            )

        @pl.when(isp & (s == 0))
        def _():
            pltpu.sync_copy(mem.at[pl.ds(lo, REM)], acc.at[pl.ds(0, REM)])

        plsc.subcore_barrier()

        cnt = jnp.sum(hist_v[pl.ds(blk * L, L)])
        end = base + cnt

        def _chunk(j, _):
            c0 = pl.multiple_of(base + j * C, 8)
            for kk in range(C // L):
                lanes = lax.iota(jnp.int32, L)
                slot = c0 + kk * L + lanes
                pv = pos_v[pl.ds(c0 + kk * L, L)]
                ival = plsc.load_gather(idx_v, [pv - tile_base])
                li = ival - lo
                li = jnp.where(slot < end, li, TRASH)
                lidx[0, pl.ds(kk * L, L)] = li
            pltpu.async_copy(val.at[pos_v.at[pl.ds(c0, C)]], rows, gsem).wait()
            pltpu.sync_copy(rows, acc.at[lidx.at[0]], add=True)
            return 0

        nch = lax.div(cnt + (C - 1), jnp.int32(C))
        lax.fori_loop(0, nch, _chunk, 0)

        plsc.subcore_barrier()

        @pl.when(jnp.logical_not(isp))
        def _():
            pltpu.sync_copy(
                acc.at[pl.ds(s * ROWS_PER_TILE, ROWS_PER_TILE)],
                out.at[pl.ds(lo + s * ROWS_PER_TILE, ROWS_PER_TILE)],
            )

        @pl.when(isp & (s == 0))
        def _():
            pltpu.sync_copy(acc.at[pl.ds(0, REM)], out.at[pl.ds(lo, REM)])

        return base + ((cnt + 7) & jnp.int32(-8))

    lax.fori_loop(0, SPLIT, _block, jnp.int32(0))


@jax.jit
def _scatter_add(mem, val, idx):
    mem64 = jnp.pad(mem, ((0, 0), (0, DP - D)))
    val64 = jnp.pad(val, ((0, 0), (0, DP - D)))
    mesh = plsc.VectorSubcoreMesh(core_axis_name="c", subcore_axis_name="s")
    out64 = pl.kernel(
        _body,
        out_type=jax.ShapeDtypeStruct((M, DP), jnp.float32),
        mesh=mesh,
        compiler_params=pltpu.CompilerParams(
            needs_layout_passes=False, use_tc_tiling_on_sc=False
        ),
        scratch_types=[
            pltpu.VMEM((SLICE,), jnp.int32),
            pltpu.VMEM((PV,), jnp.int32),
            pltpu.VMEM((NH,), jnp.int32),
            pltpu.VMEM((NH,), jnp.int32),
            pltpu.VMEM((1, C), jnp.int32),
            pltpu.VMEM((C, DP), jnp.float32),
            pltpu.VMEM_SHARED((R + 1, DP), jnp.float32),
            pltpu.SemaphoreType.DMA,
        ],
    )(mem64, val64, idx)
    return out64[:, :D]


def kernel(mem, val, idx):
    return _scatter_add(mem, val, idx)

# --- scband reference (transcript-rebuilt; emitter-appended) ---
"""Pipeline reference for scband-gaussian-tree-13322988552502 (READ-ONLY COPY).

The authoritative reference and input builder live on the scoring server;
editing this copy changes nothing except your own understanding.
"""

import jax, jax.numpy as jnp
import numpy as np

M = 1000000   # total Gaussians in the tree level (memory rows)
D = 59        # concatenated attribute dim: means(3)+quats(4)+log_scales(3)+opacity(1)+sh_dc(3)+sh_rest(45)
B = 262144    # number of child/update writes this step


def setup_inputs(seed: int = 0) -> dict:
    key = jax.random.key(seed)
    k1, k2, k3 = jax.random.split(key, 3)
    mem = jax.random.normal(k1, (M, D), dtype=jnp.float32)
    val = jax.random.normal(k2, (B, D), dtype=jnp.float32)
    idx = jax.random.randint(k3, (B,), 0, M, dtype=jnp.int32)
    return {"mem": mem, "val": val, "idx": idx}


def reference(mem, val, idx):
    # GaussianTree densification / grad-accumulation pattern:
    # scatter-add per-child contributions (val) into the per-Gaussian
    # attribute / statistics memory (mem) at parent/slot indices (idx).
    updated = mem.at[idx].add(val)
    return updated

if __name__ == "__main__":
    import jax
    _d = setup_inputs()
    print(jax.jit(kernel)(*tuple(_d.values())))

</pallas_src>

<mosaic_0001>
#map = affine_map<(d0, d1) -> (0, 0)>
#map1 = affine_map<(d0, d1) -> (0)>
module attributes {stable_mosaic.version = 14 : i64} {
  func.func @_body(%arg0: i32, %arg1: i32, %arg2: memref<1000000x64xf32, #tpu.memory_space<hbm>>, %arg3: memref<262144x64xf32, #tpu.memory_space<hbm>>, %arg4: memref<262144xi32, #tpu.memory_space<hbm>>, %arg5: memref<1000000x64xf32, #tpu.memory_space<hbm>>, %arg6: memref<16384xi32, #tpu.memory_space<vmem>>, %arg7: memref<16776xi32, #tpu.memory_space<vmem>>, %arg8: memref<992xi32, #tpu.memory_space<vmem>>, %arg9: memref<992xi32, #tpu.memory_space<vmem>>, %arg10: memref<1x128xi32, #tpu.memory_space<vmem>>, %arg11: memref<128x64xf32, #tpu.memory_space<vmem>>, %arg12: memref<16385x64xf32, #tpu.memory_space<vmem_shared>>, %arg13: memref<!tpu.dma_semaphore, #tpu.memory_space<semaphore_mem>>) attributes {dimension_semantics = [#tpu.dimension_semantics<core_parallel>, #tpu.dimension_semantics<subcore_parallel>], iteration_bounds = array<i64: 2, 16>, scalar_prefetch = 0 : i64, scratch_operands = 8 : i64, tpu.core_type = #tpu.core_type<sc_vector_subcore>, window_params = [{transform_indices = #map}, {transform_indices = #map}, {transform_indices = #map1}, {transform_indices = #map}]} {
    %mul3A = arith.constant 16384 : i32
    %mul3A_0 = arith.muli %arg1, %mul3A : i32
    %mul3A_1 = arith.constant 31 : i32
    %mul3A_2 = arith.muli %mul3A_1, %arg0 : i32
    "tpu.region"() ({
      %run_scoped3A = tpu.sem_alloc : memref<!tpu.dma_semaphore, #tpu.memory_space<semaphore_mem>>
      %dma_start3A = tpu.memref_slice %arg4[%mul3A_0] : memref<262144xi32, #tpu.memory_space<hbm>> -> memref<16384xi32, #tpu.memory_space<hbm>>
      %dma_start3A_44 = tpu.memref_slice %arg4[%mul3A_0] : memref<262144xi32, #tpu.memory_space<hbm>> -> memref<16384xi32, #tpu.memory_space<hbm>>
      tpu.enqueue_dma source(%dma_start3A_44 : memref<16384xi32, #tpu.memory_space<hbm>>) target(%arg6 : memref<16384xi32, #tpu.memory_space<vmem>>) target_semaphore(%run_scoped3A : memref<!tpu.dma_semaphore, #tpu.memory_space<semaphore_mem>>)
      %dma_wait3A = tpu.memref_slice %arg4[%mul3A_0] : memref<262144xi32, #tpu.memory_space<hbm>> -> memref<16384xi32, #tpu.memory_space<hbm>>
      %dma_wait3A_45 = tpu.memref_slice %arg4[%mul3A_0] : memref<262144xi32, #tpu.memory_space<hbm>> -> memref<16384xi32, #tpu.memory_space<hbm>>
      tpu.wait_dma2 semaphore(%run_scoped3A : memref<!tpu.dma_semaphore, #tpu.memory_space<semaphore_mem>>) src(%dma_wait3A_45 : memref<16384xi32, #tpu.memory_space<hbm>>) dst(%arg6 : memref<16384xi32, #tpu.memory_space<vmem>>)
      tpu.yield
    }) : () -> ()
    %scan3A = arith.constant 0 : i32
    %scan3A_3 = arith.constant 0 : i32
    %scan3A_4 = arith.constant 1048 : i32
    %scan3A_5 = arith.addi %scan3A_3, %scan3A_4 : i32
    %scan3A_6 = arith.constant 1 : i32
    %scan3A_7 = scf.for %scan3A_44 = %scan3A_3 to %scan3A_5 step %scan3A_6 iter_args(%scan3A_45 = %scan3A) -> (i32)  : i32 {
      %broadcast_in_dim3A = arith.constant 0 : i32
      %broadcast_in_dim3A_46 = vector.broadcast %broadcast_in_dim3A : i32 to vector<16xi32>
      %add3A = vector.broadcast %mul3A_0 : i32 to vector<16xi32>
      %add3A_47 = arith.addi %broadcast_in_dim3A_46, %add3A : vector<16xi32>
      %mul3A_48 = arith.constant 16 : i32
      %mul3A_49 = arith.muli %scan3A_44, %mul3A_48 : i32
      %swap3A = arith.index_cast %mul3A_49 : i32 to index
      %swap3A_50 = tpu.vector_load %arg7[%swap3A] {strides = array<i32>} : memref<16776xi32, #tpu.memory_space<vmem>>, vector<16xi32>,
      tpu.vector_store %arg7[%swap3A], %add3A_47 {strides = array<i32>} : memref<16776xi32, #tpu.memory_space<vmem>>, vector<16xi32>,
      %scan3A_51 = arith.constant 0 : i32
      scf.yield %scan3A_51 : i32
    }
    %scan3A_8 = arith.constant 1048 : i32
    %scan3A_9 = arith.constant 0 : i32
    %scan3A_10 = arith.constant 0 : i32
    %scan3A_11 = arith.constant 62 : i32
    %scan3A_12 = arith.addi %scan3A_10, %scan3A_11 : i32
    %scan3A_13 = arith.constant 1 : i32
    %scan3A_14 = scf.for %scan3A_44 = %scan3A_10 to %scan3A_12 step %scan3A_13 iter_args(%scan3A_45 = %scan3A_9) -> (i32)  : i32 {
      %broadcast_in_dim3A = arith.constant 0 : i32
      %broadcast_in_dim3A_46 = vector.broadcast %broadcast_in_dim3A : i32 to vector<16xi32>
      %mul3A_47 = arith.constant 16 : i32
      %mul3A_48 = arith.muli %scan3A_44, %mul3A_47 : i32
      %swap3A = arith.index_cast %mul3A_48 : i32 to index
      %swap3A_49 = tpu.vector_load %arg8[%swap3A] {strides = array<i32>} : memref<992xi32, #tpu.memory_space<vmem>>, vector<16xi32>,
      tpu.vector_store %arg8[%swap3A], %broadcast_in_dim3A_46 {strides = array<i32>} : memref<992xi32, #tpu.memory_space<vmem>>, vector<16xi32>,
      %scan3A_50 = arith.constant 0 : i32
      scf.yield %scan3A_50 : i32
    }
    %scan3A_15 = arith.constant 62 : i32
    %scan3A_16 = arith.constant 0 : i32
    %scan3A_17 = arith.constant 0 : i32
    %scan3A_18 = arith.constant 1024 : i32
    %scan3A_19 = arith.addi %scan3A_17, %scan3A_18 : i32
    %scan3A_20 = arith.constant 1 : i32
    %scan3A_21 = scf.for %scan3A_44 = %scan3A_17 to %scan3A_19 step %scan3A_20 iter_args(%scan3A_45 = %scan3A_16) -> (i32)  : i32 {
      %iota3A = tpu.iota {dimensions = array<i32: 0>} : vector<16xi32>
      %mul3A_46 = arith.constant 16 : i32
      %mul3A_47 = arith.muli %scan3A_44, %mul3A_46 : i32
      %get3A = arith.index_cast %mul3A_47 : i32 to index
      %get3A_48 = tpu.vector_load %arg6[%get3A] {strides = array<i32>} : memref<16384xi32, #tpu.memory_space<vmem>>, vector<16xi32>,
      %shift_right_logical3A = arith.constant 14 : i32
      %shift_right_logical3A_49 = vector.broadcast %shift_right_logical3A : i32 to vector<16xi32>
      %shift_right_logical3A_50 = arith.shrui %get3A_48, %shift_right_logical3A_49 : vector<16xi32>
      %mul3A_51 = arith.constant 16 : i32
      %mul3A_52 = vector.broadcast %mul3A_51 : i32 to vector<16xi32>
      %mul3A_53 = arith.muli %shift_right_logical3A_50, %mul3A_52 : vector<16xi32>
      %add3A = arith.addi %mul3A_53, %iota3A : vector<16xi32>
      %broadcast_in_dim3A = arith.constant 0 : i32
      %broadcast_in_dim3A_54 = vector.broadcast %broadcast_in_dim3A : i32 to vector<16xi32>
      %add3A_55 = arith.constant 1 : i32
      %add3A_56 = vector.broadcast %add3A_55 : i32 to vector<16xi32>
      %add3A_57 = arith.addi %broadcast_in_dim3A_54, %add3A_56 : vector<16xi32>
      tpu.vector_store_idx %arg8[%add3A], %add3A_57 {add = true} : memref<992xi32, #tpu.memory_space<vmem>>[vector<16xi32>], vector<16xi32>,
      %scan3A_58 = arith.constant 0 : i32
      scf.yield %scan3A_58 : i32
    }
    %scan3A_22 = arith.constant 1024 : i32
    %scan3A_23 = arith.constant 0 : i32
    %scan3A_24 = arith.constant 0 : i32
    %scan3A_25 = arith.constant 62 : i32
    %scan3A_26 = arith.addi %scan3A_24, %scan3A_25 : i32
    %scan3A_27 = arith.constant 1 : i32
    %scan3A_28 = scf.for %scan3A_44 = %scan3A_24 to %scan3A_26 step %scan3A_27 iter_args(%scan3A_45 = %scan3A_23) -> (i32)  : i32 {
      %iota3A = tpu.iota {dimensions = array<i32: 0>} : vector<16xi32>
      %mul3A_46 = arith.constant 16 : i32
      %mul3A_47 = arith.muli %scan3A_44, %mul3A_46 : i32
      %get3A = arith.index_cast %mul3A_47 : i32 to index
      %get3A_48 = tpu.vector_load %arg8[%get3A] {strides = array<i32>} : memref<992xi32, #tpu.memory_space<vmem>>, vector<16xi32>,
      %sub3A = arith.subi %scan3A_44, %mul3A_2 : i32
      %ge3A = arith.constant 0 : i32
      %ge3A_49 = arith.cmpi sge, %sub3A, %ge3A : i32
      %lt3A = arith.constant 31 : i32
      %lt3A_50 = arith.cmpi slt, %sub3A, %lt3A : i32
      %and3A = arith.andi %ge3A_49, %lt3A_50 : i1
      %broadcast_in_dim3A = arith.constant true
      %broadcast_in_dim3A_51 = vector.broadcast %broadcast_in_dim3A : i1 to vector<16xi1>
      %masked_cumsum3A = tpu.scan <sum>, %get3A_48 masked %broadcast_in_dim3A_51 : vector<16xi32>, vector<16xi1> -> vector<16xi32>
      %sub3A_52 = arith.subi %masked_cumsum3A, %get3A_48 : vector<16xi32>
      %add3A = vector.broadcast %scan3A_45 : i32 to vector<16xi32>
      %add3A_53 = arith.addi %add3A, %sub3A_52 : vector<16xi32>
      %add3A_54 = arith.constant 16760 : i32
      %add3A_55 = vector.broadcast %add3A_54 : i32 to vector<16xi32>
      %add3A_56 = arith.addi %add3A_55, %iota3A : vector<16xi32>
      %select_n3A = arith.select %and3A, %add3A_53, %add3A_56 : vector<16xi32>
      %mul3A_57 = arith.constant 16 : i32
      %mul3A_58 = arith.muli %scan3A_44, %mul3A_57 : i32
      %swap3A = arith.index_cast %mul3A_58 : i32 to index
      %swap3A_59 = tpu.vector_load %arg9[%swap3A] {strides = array<i32>} : memref<992xi32, #tpu.memory_space<vmem>>, vector<16xi32>,
      tpu.vector_store %arg9[%swap3A], %select_n3A {strides = array<i32>} : memref<992xi32, #tpu.memory_space<vmem>>, vector<16xi32>,
      %reduce_sum3A = arith.constant true
      %reduce_sum3A_60 = vector.broadcast %reduce_sum3A : i1 to vector<16xi1>
      %reduce_sum3A_61 = tpu.scan <sum>, %get3A_48 masked %reduce_sum3A_60 : vector<16xi32>, vector<16xi1> -> vector<16xi32>
      %reduce_sum3A_62 = vector.extract %reduce_sum3A_61[15] : i32 from vector<16xi32>
      %add3A_63 = arith.constant 7 : i32
      %add3A_64 = arith.addi %reduce_sum3A_62, %add3A_63 : i32
      %and3A_65 = arith.constant -8 : i32
      %and3A_66 = arith.andi %add3A_64, %and3A_65 : i32
      %jit3A = arith.constant 0 : i32
      %select_n3A_67 = arith.select %and3A, %and3A_66, %jit3A : i32
      %add3A_68 = arith.addi %scan3A_45, %select_n3A_67 : i32
      scf.yield %add3A_68 : i32
    }
    %scan3A_29 = arith.constant 62 : i32
    %scan3A_30 = arith.constant 0 : i32
    %scan3A_31 = arith.constant 0 : i32
    %scan3A_32 = arith.constant 1024 : i32
    %scan3A_33 = arith.addi %scan3A_31, %scan3A_32 : i32
    %scan3A_34 = arith.constant 1 : i32
    %scan3A_35 = scf.for %scan3A_44 = %scan3A_31 to %scan3A_33 step %scan3A_34 iter_args(%scan3A_45 = %scan3A_30) -> (i32)  : i32 {
      %iota3A = tpu.iota {dimensions = array<i32: 0>} : vector<16xi32>
      %mul3A_46 = arith.constant 16 : i32
      %mul3A_47 = arith.muli %scan3A_44, %mul3A_46 : i32
      %get3A = arith.index_cast %mul3A_47 : i32 to index
      %get3A_48 = tpu.vector_load %arg6[%get3A] {strides = array<i32>} : memref<16384xi32, #tpu.memory_space<vmem>>, vector<16xi32>,
      %shift_right_logical3A = arith.constant 14 : i32
      %shift_right_logical3A_49 = vector.broadcast %shift_right_logical3A : i32 to vector<16xi32>
      %shift_right_logical3A_50 = arith.shrui %get3A_48, %shift_right_logical3A_49 : vector<16xi32>
      %sub3A = vector.broadcast %mul3A_2 : i32 to vector<16xi32>
      %sub3A_51 = arith.subi %shift_right_logical3A_50, %sub3A : vector<16xi32>
      %ge3A = arith.constant 0 : i32
      %ge3A_52 = vector.broadcast %ge3A : i32 to vector<16xi32>
      %ge3A_53 = arith.cmpi sge, %sub3A_51, %ge3A_52 : vector<16xi32>
      %lt3A = arith.constant 31 : i32
      %lt3A_54 = vector.broadcast %lt3A : i32 to vector<16xi32>
      %lt3A_55 = arith.cmpi slt, %sub3A_51, %lt3A_54 : vector<16xi32>
      %and3A = arith.andi %ge3A_53, %lt3A_55 : vector<16xi1>
      %convert_element_type3A = arith.extui %and3A : vector<16xi1> to vector<16xi32>
      %mul3A_56 = arith.constant 16 : i32
      %mul3A_57 = vector.broadcast %mul3A_56 : i32 to vector<16xi32>
      %mul3A_58 = arith.muli %shift_right_logical3A_50, %mul3A_57 : vector<16xi32>
      %add3A = arith.addi %mul3A_58, %iota3A : vector<16xi32>
      %gather3A = tpu.vector_load_idx %arg9[%add3A] : memref<992xi32, #tpu.memory_space<vmem>>[vector<16xi32>], vector<16xi32>,
      %mul3A_59 = arith.constant 16 : i32
      %mul3A_60 = arith.muli %scan3A_44, %mul3A_59 : i32
      %add3A_61 = arith.addi %mul3A_0, %mul3A_60 : i32
      %add3A_62 = vector.broadcast %add3A_61 : i32 to vector<16xi32>
      %add3A_63 = arith.addi %add3A_62, %iota3A : vector<16xi32>
      tpu.vector_store_idx %arg7[%gather3A], %add3A_63 : memref<16776xi32, #tpu.memory_space<vmem>>[vector<16xi32>], vector<16xi32>,
      tpu.vector_store_idx %arg9[%add3A], %convert_element_type3A {add = true} : memref<992xi32, #tpu.memory_space<vmem>>[vector<16xi32>], vector<16xi32>,
      %scan3A_64 = arith.constant 0 : i32
      scf.yield %scan3A_64 : i32
    }
    %scan3A_36 = arith.constant 1024 : i32
    %scan3A_37 = arith.constant 0 : i32
    %scan3A_38 = arith.constant 0 : i32
    %scan3A_39 = arith.constant 31 : i32
    %scan3A_40 = arith.addi %scan3A_38, %scan3A_39 : i32
    %scan3A_41 = arith.constant 1 : i32
    %scan3A_42 = scf.for %scan3A_44 = %scan3A_38 to %scan3A_40 step %scan3A_41 iter_args(%scan3A_45 = %scan3A_37) -> (i32)  : i32 {
      %add3A = arith.addi %mul3A_2, %scan3A_44 : i32
      %mul3A_46 = arith.constant 16384 : i32
      %mul3A_47 = arith.muli %add3A, %mul3A_46 : i32
      %ge3A = arith.constant 61 : i32
      %ge3A_48 = arith.cmpi sge, %add3A, %ge3A : i32
      %not3A = arith.constant true
      %not3A_49 = arith.xori %ge3A_48, %not3A : i1
      %convert_element_type3A = arith.extui %not3A_49 : i1 to i32
      %cond3A = arith.constant 0 : i32
      %cond3A_50 = arith.cmpi ne, %convert_element_type3A, %cond3A : i32
      scf.if %cond3A_50 {
        %mul3A_93 = arith.constant 1024 : i32
        %mul3A_94 = arith.muli %arg1, %mul3A_93 : i32
        %add3A_95 = arith.addi %mul3A_47, %mul3A_94 : i32
        %mul3A_96 = arith.constant 1024 : i32
        %mul3A_97 = arith.muli %arg1, %mul3A_96 : i32
        "tpu.region"() ({
          %run_scoped3A = tpu.sem_alloc : memref<!tpu.dma_semaphore, #tpu.memory_space<semaphore_mem>>
          %dma_start3A = arith.constant 0 : i32
          %dma_start3A_98 = tpu.memref_slice %arg12[%mul3A_97, %dma_start3A] : memref<16385x64xf32, #tpu.memory_space<vmem_shared>> -> memref<1024x64xf32, #tpu.memory_space<vmem_shared>>
          %dma_start3A_99 = arith.constant 0 : i32
          %dma_start3A_100 = tpu.memref_slice %arg2[%add3A_95, %dma_start3A_99] : memref<1000000x64xf32, #tpu.memory_space<hbm>> -> memref<1024x64xf32, #tpu.memory_space<hbm>>
          tpu.enqueue_dma source(%dma_start3A_100 : memref<1024x64xf32, #tpu.memory_space<hbm>>) target(%dma_start3A_98 : memref<1024x64xf32, #tpu.memory_space<vmem_shared>>) target_semaphore(%run_scoped3A : memref<!tpu.dma_semaphore, #tpu.memory_space<semaphore_mem>>)
          %dma_wait3A = arith.constant 0 : i32
          %dma_wait3A_101 = tpu.memref_slice %arg12[%mul3A_97, %dma_wait3A] : memref<16385x64xf32, #tpu.memory_space<vmem_shared>> -> memref<1024x64xf32, #tpu.memory_space<vmem_shared>>
          %dma_wait3A_102 = arith.constant 0 : i32
          %dma_wait3A_103 = tpu.memref_slice %arg2[%add3A_95, %dma_wait3A_102] : memref<1000000x64xf32, #tpu.memory_space<hbm>> -> memref<1024x64xf32, #tpu.memory_space<hbm>>
          tpu.wait_dma2 semaphore(%run_scoped3A : memref<!tpu.dma_semaphore, #tpu.memory_space<semaphore_mem>>) src(%dma_wait3A_103 : memref<1024x64xf32, #tpu.memory_space<hbm>>) dst(%dma_wait3A_101 : memref<1024x64xf32, #tpu.memory_space<vmem_shared>>)
          tpu.yield
        }) : () -> ()
      } else {
      }
      %eq3A = arith.constant 0 : i32
      %eq3A_51 = arith.cmpi eq, %arg1, %eq3A : i32
      %and3A = arith.andi %ge3A_48, %eq3A_51 : i1
      %convert_element_type3A_52 = arith.extui %and3A : i1 to i32
      %cond3A_53 = arith.constant 0 : i32
      %cond3A_54 = arith.cmpi ne, %convert_element_type3A_52, %cond3A_53 : i32
      scf.if %cond3A_54 {
        "tpu.region"() ({
          %run_scoped3A = tpu.sem_alloc : memref<!tpu.dma_semaphore, #tpu.memory_space<semaphore_mem>>
          %dma_start3A = arith.constant 0 : i32
          %dma_start3A_93 = arith.constant 0 : i32
          %dma_start3A_94 = tpu.memref_slice %arg12[%dma_start3A, %dma_start3A_93] : memref<16385x64xf32, #tpu.memory_space<vmem_shared>> -> memref<576x64xf32, #tpu.memory_space<vmem_shared>>
          %dma_start3A_95 = arith.constant 0 : i32
          %dma_start3A_96 = tpu.memref_slice %arg2[%mul3A_47, %dma_start3A_95] : memref<1000000x64xf32, #tpu.memory_space<hbm>> -> memref<576x64xf32, #tpu.memory_space<hbm>>
          tpu.enqueue_dma source(%dma_start3A_96 : memref<576x64xf32, #tpu.memory_space<hbm>>) target(%dma_start3A_94 : memref<576x64xf32, #tpu.memory_space<vmem_shared>>) target_semaphore(%run_scoped3A : memref<!tpu.dma_semaphore, #tpu.memory_space<semaphore_mem>>)
          %dma_wait3A = arith.constant 0 : i32
          %dma_wait3A_97 = arith.constant 0 : i32
          %dma_wait3A_98 = tpu.memref_slice %arg12[%dma_wait3A, %dma_wait3A_97] : memref<16385x64xf32, #tpu.memory_space<vmem_shared>> -> memref<576x64xf32, #tpu.memory_space<vmem_shared>>
          %dma_wait3A_99 = arith.constant 0 : i32
          %dma_wait3A_100 = tpu.memref_slice %arg2[%mul3A_47, %dma_wait3A_99] : memref<1000000x64xf32, #tpu.memory_space<hbm>> -> memref<576x64xf32, #tpu.memory_space<hbm>>
          tpu.wait_dma2 semaphore(%run_scoped3A : memref<!tpu.dma_semaphore, #tpu.memory_space<semaphore_mem>>) src(%dma_wait3A_100 : memref<576x64xf32, #tpu.memory_space<hbm>>) dst(%dma_wait3A_98 : memref<576x64xf32, #tpu.memory_space<vmem_shared>>)
          tpu.yield
        }) : () -> ()
      } else {
      }
      %barrier3A = arith.constant 0 : index
      tpu.barrier barrier_id(%barrier3A)
      %mul3A_55 = arith.constant 16 : i32
      %mul3A_56 = arith.muli %add3A, %mul3A_55 : i32
      %get3A = arith.index_cast %mul3A_56 : i32 to index
      %get3A_57 = tpu.vector_load %arg8[%get3A] {strides = array<i32>} : memref<992xi32, #tpu.memory_space<vmem>>, vector<16xi32>,
      %reduce_sum3A = arith.constant true
      %reduce_sum3A_58 = vector.broadcast %reduce_sum3A : i1 to vector<16xi1>
      %reduce_sum3A_59 = tpu.scan <sum>, %get3A_57 masked %reduce_sum3A_58 : vector<16xi32>, vector<16xi1> -> vector<16xi32>
      %reduce_sum3A_60 = vector.extract %reduce_sum3A_59[15] : i32 from vector<16xi32>
      %add3A_61 = arith.addi %scan3A_45, %reduce_sum3A_60 : i32
      %add3A_62 = arith.constant 127 : i32
      %add3A_63 = arith.addi %reduce_sum3A_60, %add3A_62 : i32
      %div3A = arith.constant 128 : i32
      %div3A_64 = arith.divsi %add3A_63, %div3A : i32
      %while3A = arith.constant 0 : i32
      %while3A_65 = arith.constant 0 : i32
      %while3A_66 = arith.subi %div3A_64, %while3A : i32
      %while3A_67 = arith.addi %while3A, %while3A_66 : i32
      %while3A_68 = arith.constant 1 : i32
      %while3A_69 = arith.divsi %while3A_66, %while3A_68 : i32
      %while3A_70 = arith.muli %while3A_69, %while3A_68 : i32
      %while3A_71 = arith.addi %while3A, %while3A_70 : i32
      %while3A_72 = arith.constant 1 : i32
      %while3A_73 = scf.for %while3A_93 = %while3A to %while3A_71 step %while3A_72 iter_args(%while3A_94 = %while3A_65) -> (i32)  : i32 {
        %mul3A_95 = arith.constant 128 : i32
        %mul3A_96 = arith.muli %while3A_93, %mul3A_95 : i32
        %add3A_97 = arith.addi %scan3A_45, %mul3A_96 : i32
        %multiple_of3A = tpu.assume_multiple %add3A_97, 8 : i32
        %iota3A = tpu.iota {dimensions = array<i32: 0>} : vector<16xi32>
        %add3A_98 = arith.constant 0 : i32
        %add3A_99 = arith.addi %multiple_of3A, %add3A_98 : i32
        %add3A_100 = vector.broadcast %add3A_99 : i32 to vector<16xi32>
        %add3A_101 = arith.addi %add3A_100, %iota3A : vector<16xi32>
        %add3A_102 = arith.constant 0 : i32
        %add3A_103 = arith.addi %multiple_of3A, %add3A_102 : i32
        %get3A_104 = arith.index_cast %add3A_103 : i32 to index
        %get3A_105 = tpu.vector_load %arg7[%get3A_104] {strides = array<i32>} : memref<16776xi32, #tpu.memory_space<vmem>>, vector<16xi32>,
        %sub3A = vector.broadcast %mul3A_0 : i32 to vector<16xi32>
        %sub3A_106 = arith.subi %get3A_105, %sub3A : vector<16xi32>
        %gather3A = tpu.vector_load_idx %arg6[%sub3A_106] : memref<16384xi32, #tpu.memory_space<vmem>>[vector<16xi32>], vector<16xi32>,
        %sub3A_107 = vector.broadcast %mul3A_47 : i32 to vector<16xi32>
        %sub3A_108 = arith.subi %gather3A, %sub3A_107 : vector<16xi32>
        %lt3A = vector.broadcast %add3A_61 : i32 to vector<16xi32>
        %lt3A_109 = arith.cmpi slt, %add3A_101, %lt3A : vector<16xi32>
        %jit3A = arith.constant 16384 : i32
        %broadcast_in_dim3A = vector.broadcast %jit3A : i32 to vector<16xi32>
        %select_n3A = arith.select %lt3A_109, %sub3A_108, %broadcast_in_dim3A : vector<16xi1>, vector<16xi32>
        %swap3A = arith.constant 0 : i32
        %swap3A_110 = arith.index_cast %swap3A : i32 to index
        %swap3A_111 = arith.constant 0 : index
        %swap3A_112 = tpu.vector_load %arg10[%swap3A_110, %swap3A_111] {strides = array<i32>} : memref<1x128xi32, #tpu.memory_space<vmem>>, vector<16xi32>,
        tpu.vector_store %arg10[%swap3A_110, %swap3A_111], %select_n3A {strides = array<i32>} : memref<1x128xi32, #tpu.memory_space<vmem>>, vector<16xi32>,
        %iota3A_113 = tpu.iota {dimensions = array<i32: 0>} : vector<16xi32>
        %add3A_114 = arith.constant 16 : i32
        %add3A_115 = arith.addi %multiple_of3A, %add3A_114 : i32
        %add3A_116 = vector.broadcast %add3A_115 : i32 to vector<16xi32>
        %add3A_117 = arith.addi %add3A_116, %iota3A_113 : vector<16xi32>
        %add3A_118 = arith.constant 16 : i32
        %add3A_119 = arith.addi %multiple_of3A, %add3A_118 : i32
        %get3A_120 = arith.index_cast %add3A_119 : i32 to index
        %get3A_121 = tpu.vector_load %arg7[%get3A_120] {strides = array<i32>} : memref<16776xi32, #tpu.memory_space<vmem>>, vector<16xi32>,
        %sub3A_122 = vector.broadcast %mul3A_0 : i32 to vector<16xi32>
        %sub3A_123 = arith.subi %get3A_121, %sub3A_122 : vector<16xi32>
        %gather3A_124 = tpu.vector_load_idx %arg6[%sub3A_123] : memref<16384xi32, #tpu.memory_space<vmem>>[vector<16xi32>], vector<16xi32>,
        %sub3A_125 = vector.broadcast %mul3A_47 : i32 to vector<16xi32>
        %sub3A_126 = arith.subi %gather3A_124, %sub3A_125 : vector<16xi32>
        %lt3A_127 = vector.broadcast %add3A_61 : i32 to vector<16xi32>
        %lt3A_128 = arith.cmpi slt, %add3A_117, %lt3A_127 : vector<16xi32>
        %jit3A_129 = arith.constant 16384 : i32
        %broadcast_in_dim3A_130 = vector.broadcast %jit3A_129 : i32 to vector<16xi32>
        %select_n3A_131 = arith.select %lt3A_128, %sub3A_126, %broadcast_in_dim3A_130 : vector<16xi1>, vector<16xi32>
        %swap3A_132 = arith.constant 0 : i32
        %swap3A_133 = arith.index_cast %swap3A_132 : i32 to index
        %swap3A_134 = arith.constant 16 : index
        %swap3A_135 = tpu.vector_load %arg10[%swap3A_133, %swap3A_134] {strides = array<i32>} : memref<1x128xi32, #tpu.memory_space<vmem>>, vector<16xi32>,
        tpu.vector_store %arg10[%swap3A_133, %swap3A_134], %select_n3A_131 {strides = array<i32>} : memref<1x128xi32, #tpu.memory_space<vmem>>, vector<16xi32>,
        %iota3A_136 = tpu.iota {dimensions = array<i32: 0>} : vector<16xi32>
        %add3A_137 = arith.constant 32 : i32
        %add3A_138 = arith.addi %multiple_of3A, %add3A_137 : i32
        %add3A_139 = vector.broadcast %add3A_138 : i32 to vector<16xi32>
        %add3A_140 = arith.addi %add3A_139, %iota3A_136 : vector<16xi32>
        %add3A_141 = arith.constant 32 : i32
        %add3A_142 = arith.addi %multiple_of3A, %add3A_141 : i32
        %get3A_143 = arith.index_cast %add3A_142 : i32 to index
        %get3A_144 = tpu.vector_load %arg7[%get3A_143] {strides = array<i32>} : memref<16776xi32, #tpu.memory_space<vmem>>, vector<16xi32>,
        %sub3A_145 = vector.broadcast %mul3A_0 : i32 to vector<16xi32>
        %sub3A_146 = arith.subi %get3A_144, %sub3A_145 : vector<16xi32>
        %gather3A_147 = tpu.vector_load_idx %arg6[%sub3A_146] : memref<16384xi32, #tpu.memory_space<vmem>>[vector<16xi32>], vector<16xi32>,
        %sub3A_148 = vector.broadcast %mul3A_47 : i32 to vector<16xi32>
        %sub3A_149 = arith.subi %gather3A_147, %sub3A_148 : vector<16xi32>
        %lt3A_150 = vector.broadcast %add3A_61 : i32 to vector<16xi32>
        %lt3A_151 = arith.cmpi slt, %add3A_140, %lt3A_150 : vector<16xi32>
        %jit3A_152 = arith.constant 16384 : i32
        %broadcast_in_dim3A_153 = vector.broadcast %jit3A_152 : i32 to vector<16xi32>
        %select_n3A_154 = arith.select %lt3A_151, %sub3A_149, %broadcast_in_dim3A_153 : vector<16xi1>, vector<16xi32>
        %swap3A_155 = arith.constant 0 : i32
        %swap3A_156 = arith.index_cast %swap3A_155 : i32 to index
        %swap3A_157 = arith.constant 32 : index
        %swap3A_158 = tpu.vector_load %arg10[%swap3A_156, %swap3A_157] {strides = array<i32>} : memref<1x128xi32, #tpu.memory_space<vmem>>, vector<16xi32>,
        tpu.vector_store %arg10[%swap3A_156, %swap3A_157], %select_n3A_154 {strides = array<i32>} : memref<1x128xi32, #tpu.memory_space<vmem>>, vector<16xi32>,
        %iota3A_159 = tpu.iota {dimensions = array<i32: 0>} : vector<16xi32>
        %add3A_160 = arith.constant 48 : i32
        %add3A_161 = arith.addi %multiple_of3A, %add3A_160 : i32
        %add3A_162 = vector.broadcast %add3A_161 : i32 to vector<16xi32>
        %add3A_163 = arith.addi %add3A_162, %iota3A_159 : vector<16xi32>
        %add3A_164 = arith.constant 48 : i32
        %add3A_165 = arith.addi %multiple_of3A, %add3A_164 : i32
        %get3A_166 = arith.index_cast %add3A_165 : i32 to index
        %get3A_167 = tpu.vector_load %arg7[%get3A_166] {strides = array<i32>} : memref<16776xi32, #tpu.memory_space<vmem>>, vector<16xi32>,
        %sub3A_168 = vector.broadcast %mul3A_0 : i32 to vector<16xi32>
        %sub3A_169 = arith.subi %get3A_167, %sub3A_168 : vector<16xi32>
        %gather3A_170 = tpu.vector_load_idx %arg6[%sub3A_169] : memref<16384xi32, #tpu.memory_space<vmem>>[vector<16xi32>], vector<16xi32>,
        %sub3A_171 = vector.broadcast %mul3A_47 : i32 to vector<16xi32>
        %sub3A_172 = arith.subi %gather3A_170, %sub3A_171 : vector<16xi32>
        %lt3A_173 = vector.broadcast %add3A_61 : i32 to vector<16xi32>
        %lt3A_174 = arith.cmpi slt, %add3A_163, %lt3A_173 : vector<16xi32>
        %jit3A_175 = arith.constant 16384 : i32
        %broadcast_in_dim3A_176 = vector.broadcast %jit3A_175 : i32 to vector<16xi32>
        %select_n3A_177 = arith.select %lt3A_174, %sub3A_172, %broadcast_in_dim3A_176 : vector<16xi1>, vector<16xi32>
        %swap3A_178 = arith.constant 0 : i32
        %swap3A_179 = arith.index_cast %swap3A_178 : i32 to index
        %swap3A_180 = arith.constant 48 : index
        %swap3A_181 = tpu.vector_load %arg10[%swap3A_179, %swap3A_180] {strides = array<i32>} : memref<1x128xi32, #tpu.memory_space<vmem>>, vector<16xi32>,
        tpu.vector_store %arg10[%swap3A_179, %swap3A_180], %select_n3A_177 {strides = array<i32>} : memref<1x128xi32, #tpu.memory_space<vmem>>, vector<16xi32>,
        %iota3A_182 = tpu.iota {dimensions = array<i32: 0>} : vector<16xi32>
        %add3A_183 = arith.constant 64 : i32
        %add3A_184 = arith.addi %multiple_of3A, %add3A_183 : i32
        %add3A_185 = vector.broadcast %add3A_184 : i32 to vector<16xi32>
        %add3A_186 = arith.addi %add3A_185, %iota3A_182 : vector<16xi32>
        %add3A_187 = arith.constant 64 : i32
        %add3A_188 = arith.addi %multiple_of3A, %add3A_187 : i32
        %get3A_189 = arith.index_cast %add3A_188 : i32 to index
        %get3A_190 = tpu.vector_load %arg7[%get3A_189] {strides = array<i32>} : memref<16776xi32, #tpu.memory_space<vmem>>, vector<16xi32>,
        %sub3A_191 = vector.broadcast %mul3A_0 : i32 to vector<16xi32>
        %sub3A_192 = arith.subi %get3A_190, %sub3A_191 : vector<16xi32>
        %gather3A_193 = tpu.vector_load_idx %arg6[%sub3A_192] : memref<16384xi32, #tpu.memory_space<vmem>>[vector<16xi32>], vector<16xi32>,
        %sub3A_194 = vector.broadcast %mul3A_47 : i32 to vector<16xi32>
        %sub3A_195 = arith.subi %gather3A_193, %sub3A_194 : vector<16xi32>
        %lt3A_196 = vector.broadcast %add3A_61 : i32 to vector<16xi32>
        %lt3A_197 = arith.cmpi slt, %add3A_186, %lt3A_196 : vector<16xi32>
        %jit3A_198 = arith.constant 16384 : i32
        %broadcast_in_dim3A_199 = vector.broadcast %jit3A_198 : i32 to vector<16xi32>
        %select_n3A_200 = arith.select %lt3A_197, %sub3A_195, %broadcast_in_dim3A_199 : vector<16xi1>, vector<16xi32>
        %swap3A_201 = arith.constant 0 : i32
        %swap3A_202 = arith.index_cast %swap3A_201 : i32 to index
        %swap3A_203 = arith.constant 64 : index
        %swap3A_204 = tpu.vector_load %arg10[%swap3A_202, %swap3A_203] {strides = array<i32>} : memref<1x128xi32, #tpu.memory_space<vmem>>, vector<16xi32>,
        tpu.vector_store %arg10[%swap3A_202, %swap3A_203], %select_n3A_200 {strides = array<i32>} : memref<1x128xi32, #tpu.memory_space<vmem>>, vector<16xi32>,
        %iota3A_205 = tpu.iota {dimensions = array<i32: 0>} : vector<16xi32>
        %add3A_206 = arith.constant 80 : i32
        %add3A_207 = arith.addi %multiple_of3A, %add3A_206 : i32
        %add3A_208 = vector.broadcast %add3A_207 : i32 to vector<16xi32>
        %add3A_209 = arith.addi %add3A_208, %iota3A_205 : vector<16xi32>
        %add3A_210 = arith.constant 80 : i32
        %add3A_211 = arith.addi %multiple_of3A, %add3A_210 : i32
        %get3A_212 = arith.index_cast %add3A_211 : i32 to index
        %get3A_213 = tpu.vector_load %arg7[%get3A_212] {strides = array<i32>} : memref<16776xi32, #tpu.memory_space<vmem>>, vector<16xi32>,
        %sub3A_214 = vector.broadcast %mul3A_0 : i32 to vector<16xi32>
        %sub3A_215 = arith.subi %get3A_213, %sub3A_214 : vector<16xi32>
        %gather3A_216 = tpu.vector_load_idx %arg6[%sub3A_215] : memref<16384xi32, #tpu.memory_space<vmem>>[vector<16xi32>], vector<16xi32>,
        %sub3A_217 = vector.broadcast %mul3A_47 : i32 to vector<16xi32>
        %sub3A_218 = arith.subi %gather3A_216, %sub3A_217 : vector<16xi32>
        %lt3A_219 = vector.broadcast %add3A_61 : i32 to vector<16xi32>
        %lt3A_220 = arith.cmpi slt, %add3A_209, %lt3A_219 : vector<16xi32>
        %jit3A_221 = arith.constant 16384 : i32
        %broadcast_in_dim3A_222 = vector.broadcast %jit3A_221 : i32 to vector<16xi32>
        %select_n3A_223 = arith.select %lt3A_220, %sub3A_218, %broadcast_in_dim3A_222 : vector<16xi1>, vector<16xi32>
        %swap3A_224 = arith.constant 0 : i32
        %swap3A_225 = arith.index_cast %swap3A_224 : i32 to index
        %swap3A_226 = arith.constant 80 : index
        %swap3A_227 = tpu.vector_load %arg10[%swap3A_225, %swap3A_226] {strides = array<i32>} : memref<1x128xi32, #tpu.memory_space<vmem>>, vector<16xi32>,
        tpu.vector_store %arg10[%swap3A_225, %swap3A_226], %select_n3A_223 {strides = array<i32>} : memref<1x128xi32, #tpu.memory_space<vmem>>, vector<16xi32>,
        %iota3A_228 = tpu.iota {dimensions = array<i32: 0>} : vector<16xi32>
        %add3A_229 = arith.constant 96 : i32
        %add3A_230 = arith.addi %multiple_of3A, %add3A_229 : i32
        %add3A_231 = vector.broadcast %add3A_230 : i32 to vector<16xi32>
        %add3A_232 = arith.addi %add3A_231, %iota3A_228 : vector<16xi32>
        %add3A_233 = arith.constant 96 : i32
        %add3A_234 = arith.addi %multiple_of3A, %add3A_233 : i32
        %get3A_235 = arith.index_cast %add3A_234 : i32 to index
        %get3A_236 = tpu.vector_load %arg7[%get3A_235] {strides = array<i32>} : memref<16776xi32, #tpu.memory_space<vmem>>, vector<16xi32>,
        %sub3A_237 = vector.broadcast %mul3A_0 : i32 to vector<16xi32>
        %sub3A_238 = arith.subi %get3A_236, %sub3A_237 : vector<16xi32>
        %gather3A_239 = tpu.vector_load_idx %arg6[%sub3A_238] : memref<16384xi32, #tpu.memory_space<vmem>>[vector<16xi32>], vector<16xi32>,
        %sub3A_240 = vector.broadcast %mul3A_47 : i32 to vector<16xi32>
        %sub3A_241 = arith.subi %gather3A_239, %sub3A_240 : vector<16xi32>
        %lt3A_242 = vector.broadcast %add3A_61 : i32 to vector<16xi32>
        %lt3A_243 = arith.cmpi slt, %add3A_232, %lt3A_242 : vector<16xi32>
        %jit3A_244 = arith.constant 16384 : i32
        %broadcast_in_dim3A_245 = vector.broadcast %jit3A_244 : i32 to vector<16xi32>
        %select_n3A_246 = arith.select %lt3A_243, %sub3A_241, %broadcast_in_dim3A_245 : vector<16xi1>, vector<16xi32>
        %swap3A_247 = arith.constant 0 : i32
        %swap3A_248 = arith.index_cast %swap3A_247 : i32 to index
        %swap3A_249 = arith.constant 96 : index
        %swap3A_250 = tpu.vector_load %arg10[%swap3A_248, %swap3A_249] {strides = array<i32>} : memref<1x128xi32, #tpu.memory_space<vmem>>, vector<16xi32>,
        tpu.vector_store %arg10[%swap3A_248, %swap3A_249], %select_n3A_246 {strides = array<i32>} : memref<1x128xi32, #tpu.memory_space<vmem>>, vector<16xi32>,
        %iota3A_251 = tpu.iota {dimensions = array<i32: 0>} : vector<16xi32>
        %add3A_252 = arith.constant 112 : i32
        %add3A_253 = arith.addi %multiple_of3A, %add3A_252 : i32
        %add3A_254 = vector.broadcast %add3A_253 : i32 to vector<16xi32>
        %add3A_255 = arith.addi %add3A_254, %iota3A_251 : vector<16xi32>
        %add3A_256 = arith.constant 112 : i32
        %add3A_257 = arith.addi %multiple_of3A, %add3A_256 : i32
        %get3A_258 = arith.index_cast %add3A_257 : i32 to index
        %get3A_259 = tpu.vector_load %arg7[%get3A_258] {strides = array<i32>} : memref<16776xi32, #tpu.memory_space<vmem>>, vector<16xi32>,
        %sub3A_260 = vector.broadcast %mul3A_0 : i32 to vector<16xi32>
        %sub3A_261 = arith.subi %get3A_259, %sub3A_260 : vector<16xi32>
        %gather3A_262 = tpu.vector_load_idx %arg6[%sub3A_261] : memref<16384xi32, #tpu.memory_space<vmem>>[vector<16xi32>], vector<16xi32>,
        %sub3A_263 = vector.broadcast %mul3A_47 : i32 to vector<16xi32>
        %sub3A_264 = arith.subi %gather3A_262, %sub3A_263 : vector<16xi32>
        %lt3A_265 = vector.broadcast %add3A_61 : i32 to vector<16xi32>
        %lt3A_266 = arith.cmpi slt, %add3A_255, %lt3A_265 : vector<16xi32>
        %jit3A_267 = arith.constant 16384 : i32
        %broadcast_in_dim3A_268 = vector.broadcast %jit3A_267 : i32 to vector<16xi32>
        %select_n3A_269 = arith.select %lt3A_266, %sub3A_264, %broadcast_in_dim3A_268 : vector<16xi1>, vector<16xi32>
        %swap3A_270 = arith.constant 0 : i32
        %swap3A_271 = arith.index_cast %swap3A_270 : i32 to index
        %swap3A_272 = arith.constant 112 : index
        %swap3A_273 = tpu.vector_load %arg10[%swap3A_271, %swap3A_272] {strides = array<i32>} : memref<1x128xi32, #tpu.memory_space<vmem>>, vector<16xi32>,
        tpu.vector_store %arg10[%swap3A_271, %swap3A_272], %select_n3A_269 {strides = array<i32>} : memref<1x128xi32, #tpu.memory_space<vmem>>, vector<16xi32>,
        %dma_start3A = tpu.memref_slice %arg7[%multiple_of3A] : memref<16776xi32, #tpu.memory_space<vmem>> -> memref<128xi32, #tpu.memory_space<vmem>>
        %dma_start3A_274 = arith.constant 0 : i32
        %dma_start3A_275 = arith.constant 0 : i32
        %dma_start3A_276 = tpu.memref_slice %arg3[%dma_start3A_274, %dma_start3A_275] : memref<262144x64xf32, #tpu.memory_space<hbm>> -> memref<262144x64xf32, #tpu.memory_space<hbm>>
        tpu.enqueue_indirect_dma source(%dma_start3A_276 : memref<262144x64xf32, #tpu.memory_space<hbm>>) target(%arg11 : memref<128x64xf32, #tpu.memory_space<vmem>>) offsets(%dma_start3A : memref<128xi32, #tpu.memory_space<vmem>>) semaphore(%arg13 : memref<!tpu.dma_semaphore, #tpu.memory_space<semaphore_mem>>)
        %dma_wait3A = tpu.memref_slice %arg7[%multiple_of3A] : memref<16776xi32, #tpu.memory_space<vmem>> -> memref<128xi32, #tpu.memory_space<vmem>>
        %dma_wait3A_277 = arith.constant 0 : i32
        %dma_wait3A_278 = arith.constant 0 : i32
        %dma_wait3A_279 = tpu.memref_slice %arg3[%dma_wait3A_277, %dma_wait3A_278] : memref<262144x64xf32, #tpu.memory_space<hbm>> -> memref<262144x64xf32, #tpu.memory_space<hbm>>
        tpu.wait_indirect_dma semaphore(%arg13 : memref<!tpu.dma_semaphore, #tpu.memory_space<semaphore_mem>>) src(%dma_wait3A_279 : memref<262144x64xf32, #tpu.memory_space<hbm>>) dst(%arg11 : memref<128x64xf32, #tpu.memory_space<vmem>>)
        %run_scoped3A = arith.constant 0 : i32
        "tpu.region"() ({
          %run_scoped3A_281 = tpu.sem_alloc : memref<!tpu.dma_semaphore, #tpu.memory_space<semaphore_mem>>
          %dma_start3A_282 = arith.constant 0 : i32
          %dma_start3A_283 = tpu.memref_slice %arg10[%run_scoped3A, %dma_start3A_282] : memref<1x128xi32, #tpu.memory_space<vmem>> -> memref<1x128xi32, #tpu.memory_space<vmem>>
          %dma_start3A_284 = tpu.memref_squeeze %dma_start3A_283 : memref<1x128xi32, #tpu.memory_space<vmem>> -> memref<128xi32, #tpu.memory_space<vmem>>
          %dma_start3A_285 = arith.constant 0 : i32
          %dma_start3A_286 = arith.constant 0 : i32
          %dma_start3A_287 = tpu.memref_slice %arg12[%dma_start3A_285, %dma_start3A_286] : memref<16385x64xf32, #tpu.memory_space<vmem_shared>> -> memref<16385x64xf32, #tpu.memory_space<vmem_shared>>
          tpu.enqueue_indirect_dma source(%arg11 : memref<128x64xf32, #tpu.memory_space<vmem>>) target(%dma_start3A_287 : memref<16385x64xf32, #tpu.memory_space<vmem_shared>>) offsets(%dma_start3A_284 : memref<128xi32, #tpu.memory_space<vmem>>) semaphore(%run_scoped3A_281 : memref<!tpu.dma_semaphore, #tpu.memory_space<semaphore_mem>>) {add = true}
          %dma_wait3A_288 = arith.constant 0 : i32
          %dma_wait3A_289 = tpu.memref_slice %arg10[%run_scoped3A, %dma_wait3A_288] : memref<1x128xi32, #tpu.memory_space<vmem>> -> memref<1x128xi32, #tpu.memory_space<vmem>>
          %dma_wait3A_290 = tpu.memref_squeeze %dma_wait3A_289 : memref<1x128xi32, #tpu.memory_space<vmem>> -> memref<128xi32, #tpu.memory_space<vmem>>
          %dma_wait3A_291 = arith.constant 0 : i32
          %dma_wait3A_292 = arith.constant 0 : i32
          %dma_wait3A_293 = tpu.memref_slice %arg12[%dma_wait3A_291, %dma_wait3A_292] : memref<16385x64xf32, #tpu.memory_space<vmem_shared>> -> memref<16385x64xf32, #tpu.memory_space<vmem_shared>>
          tpu.wait_indirect_dma semaphore(%run_scoped3A_281 : memref<!tpu.dma_semaphore, #tpu.memory_space<semaphore_mem>>) src(%arg11 : memref<128x64xf32, #tpu.memory_space<vmem>>) dst(%dma_wait3A_293 : memref<16385x64xf32, #tpu.memory_space<vmem_shared>>)
          tpu.yield
        }) : () -> ()
        %while3A_280 = arith.constant 0 : i32
        scf.yield %while3A_280 : i32
      }
      %while3A_74 = arith.constant 1 : i32
      %while3A_75 = scf.for %while3A_93 = %while3A_71 to %while3A_67 step %while3A_74 iter_args(%while3A_94 = %while3A_73) -> (i32)  : i32 {
        %mul3A_95 = arith.constant 128 : i32
        %mul3A_96 = arith.muli %while3A_93, %mul3A_95 : i32
        %add3A_97 = arith.addi %scan3A_45, %mul3A_96 : i32
        %multiple_of3A = tpu.assume_multiple %add3A_97, 8 : i32
        %iota3A = tpu.iota {dimensions = array<i32: 0>} : vector<16xi32>
        %add3A_98 = arith.constant 0 : i32
        %add3A_99 = arith.addi %multiple_of3A, %add3A_98 : i32
        %add3A_100 = vector.broadcast %add3A_99 : i32 to vector<16xi32>
        %add3A_101 = arith.addi %add3A_100, %iota3A : vector<16xi32>
        %add3A_102 = arith.constant 0 : i32
        %add3A_103 = arith.addi %multiple_of3A, %add3A_102 : i32
        %get3A_104 = arith.index_cast %add3A_103 : i32 to index
        %get3A_105 = tpu.vector_load %arg7[%get3A_104] {strides = array<i32>} : memref<16776xi32, #tpu.memory_space<vmem>>, vector<16xi32>,
        %sub3A = vector.broadcast %mul3A_0 : i32 to vector<16xi32>
        %sub3A_106 = arith.subi %get3A_105, %sub3A : vector<16xi32>
        %gather3A = tpu.vector_load_idx %arg6[%sub3A_106] : memref<16384xi32, #tpu.memory_space<vmem>>[vector<16xi32>], vector<16xi32>,
        %sub3A_107 = vector.broadcast %mul3A_47 : i32 to vector<16xi32>
        %sub3A_108 = arith.subi %gather3A, %sub3A_107 : vector<16xi32>
        %lt3A = vector.broadcast %add3A_61 : i32 to vector<16xi32>
        %lt3A_109 = arith.cmpi slt, %add3A_101, %lt3A : vector<16xi32>
        %jit3A = arith.constant 16384 : i32
        %broadcast_in_dim3A = vector.broadcast %jit3A : i32 to vector<16xi32>
        %select_n3A = arith.select %lt3A_109, %sub3A_108, %broadcast_in_dim3A : vector<16xi1>, vector<16xi32>
        %swap3A = arith.constant 0 : i32
        %swap3A_110 = arith.index_cast %swap3A : i32 to index
        %swap3A_111 = arith.constant 0 : index
        %swap3A_112 = tpu.vector_load %arg10[%swap3A_110, %swap3A_111] {strides = array<i32>} : memref<1x128xi32, #tpu.memory_space<vmem>>, vector<16xi32>,
        tpu.vector_store %arg10[%swap3A_110, %swap3A_111], %select_n3A {strides = array<i32>} : memref<1x128xi32, #tpu.memory_space<vmem>>, vector<16xi32>,
        %iota3A_113 = tpu.iota {dimensions = array<i32: 0>} : vector<16xi32>
        %add3A_114 = arith.constant 16 : i32
        %add3A_115 = arith.addi %multiple_of3A, %add3A_114 : i32
        %add3A_116 = vector.broadcast %add3A_115 : i32 to vector<16xi32>
        %add3A_117 = arith.addi %add3A_116, %iota3A_113 : vector<16xi32>
        %add3A_118 = arith.constant 16 : i32
        %add3A_119 = arith.addi %multiple_of3A, %add3A_118 : i32
        %get3A_120 = arith.index_cast %add3A_119 : i32 to index
        %get3A_121 = tpu.vector_load %arg7[%get3A_120] {strides = array<i32>} : memref<16776xi32, #tpu.memory_space<vmem>>, vector<16xi32>,
        %sub3A_122 = vector.broadcast %mul3A_0 : i32 to vector<16xi32>
        %sub3A_123 = arith.subi %get3A_121, %sub3A_122 : vector<16xi32>
        %gather3A_124 = tpu.vector_load_idx %arg6[%sub3A_123] : memref<16384xi32, #tpu.memory_space<vmem>>[vector<16xi32>], vector<16xi32>,
        %sub3A_125 = vector.broadcast %mul3A_47 : i32 to vector<16xi32>
        %sub3A_126 = arith.subi %gather3A_124, %sub3A_125 : vector<16xi32>
        %lt3A_127 = vector.broadcast %add3A_61 : i32 to vector<16xi32>
        %lt3A_128 = arith.cmpi slt, %add3A_117, %lt3A_127 : vector<16xi32>
        %jit3A_129 = arith.constant 16384 : i32
        %broadcast_in_dim3A_130 = vector.broadcast %jit3A_129 : i32 to vector<16xi32>
        %select_n3A_131 = arith.select %lt3A_128, %sub3A_126, %broadcast_in_dim3A_130 : vector<16xi1>, vector<16xi32>
        %swap3A_132 = arith.constant 0 : i32
        %swap3A_133 = arith.index_cast %swap3A_132 : i32 to index
        %swap3A_134 = arith.constant 16 : index
        %swap3A_135 = tpu.vector_load %arg10[%swap3A_133, %swap3A_134] {strides = array<i32>} : memref<1x128xi32, #tpu.memory_space<vmem>>, vector<16xi32>,
        tpu.vector_store %arg10[%swap3A_133, %swap3A_134], %select_n3A_131 {strides = array<i32>} : memref<1x128xi32, #tpu.memory_space<vmem>>, vector<16xi32>,
        %iota3A_136 = tpu.iota {dimensions = array<i32: 0>} : vector<16xi32>
        %add3A_137 = arith.constant 32 : i32
        %add3A_138 = arith.addi %multiple_of3A, %add3A_137 : i32
        %add3A_139 = vector.broadcast %add3A_138 : i32 to vector<16xi32>
        %add3A_140 = arith.addi %add3A_139, %iota3A_136 : vector<16xi32>
        %add3A_141 = arith.constant 32 : i32
        %add3A_142 = arith.addi %multiple_of3A, %add3A_141 : i32
        %get3A_143 = arith.index_cast %add3A_142 : i32 to index
        %get3A_144 = tpu.vector_load %arg7[%get3A_143] {strides = array<i32>} : memref<16776xi32, #tpu.memory_space<vmem>>, vector<16xi32>,
        %sub3A_145 = vector.broadcast %mul3A_0 : i32 to vector<16xi32>
        %sub3A_146 = arith.subi %get3A_144, %sub3A_145 : vector<16xi32>
        %gather3A_147 = tpu.vector_load_idx %arg6[%sub3A_146] : memref<16384xi32, #tpu.memory_space<vmem>>[vector<16xi32>], vector<16xi32>,
        %sub3A_148 = vector.broadcast %mul3A_47 : i32 to vector<16xi32>
        %sub3A_149 = arith.subi %gather3A_147, %sub3A_148 : vector<16xi32>
        %lt3A_150 = vector.broadcast %add3A_61 : i32 to vector<16xi32>
        %lt3A_151 = arith.cmpi slt, %add3A_140, %lt3A_150 : vector<16xi32>
        %jit3A_152 = arith.constant 16384 : i32
        %broadcast_in_dim3A_153 = vector.broadcast %jit3A_152 : i32 to vector<16xi32>
        %select_n3A_154 = arith.select %lt3A_151, %sub3A_149, %broadcast_in_dim3A_153 : vector<16xi1>, vector<16xi32>
        %swap3A_155 = arith.constant 0 : i32
        %swap3A_156 = arith.index_cast %swap3A_155 : i32 to index
        %swap3A_157 = arith.constant 32 : index
        %swap3A_158 = tpu.vector_load %arg10[%swap3A_156, %swap3A_157] {strides = array<i32>} : memref<1x128xi32, #tpu.memory_space<vmem>>, vector<16xi32>,
        tpu.vector_store %arg10[%swap3A_156, %swap3A_157], %select_n3A_154 {strides = array<i32>} : memref<1x128xi32, #tpu.memory_space<vmem>>, vector<16xi32>,
        %iota3A_159 = tpu.iota {dimensions = array<i32: 0>} : vector<16xi32>
        %add3A_160 = arith.constant 48 : i32
        %add3A_161 = arith.addi %multiple_of3A, %add3A_160 : i32
        %add3A_162 = vector.broadcast %add3A_161 : i32 to vector<16xi32>
        %add3A_163 = arith.addi %add3A_162, %iota3A_159 : vector<16xi32>
        %add3A_164 = arith.constant 48 : i32
        %add3A_165 = arith.addi %multiple_of3A, %add3A_164 : i32
        %get3A_166 = arith.index_cast %add3A_165 : i32 to index
        %get3A_167 = tpu.vector_load %arg7[%get3A_166] {strides = array<i32>} : memref<16776xi32, #tpu.memory_space<vmem>>, vector<16xi32>,
        %sub3A_168 = vector.broadcast %mul3A_0 : i32 to vector<16xi32>
        %sub3A_169 = arith.subi %get3A_167, %sub3A_168 : vector<16xi32>
        %gather3A_170 = tpu.vector_load_idx %arg6[%sub3A_169] : memref<16384xi32, #tpu.memory_space<vmem>>[vector<16xi32>], vector<16xi32>,
        %sub3A_171 = vector.broadcast %mul3A_47 : i32 to vector<16xi32>
        %sub3A_172 = arith.subi %gather3A_170, %sub3A_171 : vector<16xi32>
        %lt3A_173 = vector.broadcast %add3A_61 : i32 to vector<16xi32>
        %lt3A_174 = arith.cmpi slt, %add3A_163, %lt3A_173 : vector<16xi32>
        %jit3A_175 = arith.constant 16384 : i32
        %broadcast_in_dim3A_176 = vector.broadcast %jit3A_175 : i32 to vector<16xi32>
        %select_n3A_177 = arith.select %lt3A_174, %sub3A_172, %broadcast_in_dim3A_176 : vector<16xi1>, vector<16xi32>
        %swap3A_178 = arith.constant 0 : i32
        %swap3A_179 = arith.index_cast %swap3A_178 : i32 to index
        %swap3A_180 = arith.constant 48 : index
        %swap3A_181 = tpu.vector_load %arg10[%swap3A_179, %swap3A_180] {strides = array<i32>} : memref<1x128xi32, #tpu.memory_space<vmem>>, vector<16xi32>,
        tpu.vector_store %arg10[%swap3A_179, %swap3A_180], %select_n3A_177 {strides = array<i32>} : memref<1x128xi32, #tpu.memory_space<vmem>>, vector<16xi32>,
        %iota3A_182 = tpu.iota {dimensions = array<i32: 0>} : vector<16xi32>
        %add3A_183 = arith.constant 64 : i32
        %add3A_184 = arith.addi %multiple_of3A, %add3A_183 : i32
        %add3A_185 = vector.broadcast %add3A_184 : i32 to vector<16xi32>
        %add3A_186 = arith.addi %add3A_185, %iota3A_182 : vector<16xi32>
        %add3A_187 = arith.constant 64 : i32
        %add3A_188 = arith.addi %multiple_of3A, %add3A_187 : i32
        %get3A_189 = arith.index_cast %add3A_188 : i32 to index
        %get3A_190 = tpu.vector_load %arg7[%get3A_189] {strides = array<i32>} : memref<16776xi32, #tpu.memory_space<vmem>>, vector<16xi32>,
        %sub3A_191 = vector.broadcast %mul3A_0 : i32 to vector<16xi32>
        %sub3A_192 = arith.subi %get3A_190, %sub3A_191 : vector<16xi32>
        %gather3A_193 = tpu.vector_load_idx %arg6[%sub3A_192] : memref<16384xi32, #tpu.memory_space<vmem>>[vector<16xi32>], vector<16xi32>,
        %sub3A_194 = vector.broadcast %mul3A_47 : i32 to vector<16xi32>
        %sub3A_195 = arith.subi %gather3A_193, %sub3A_194 : vector<16xi32>
        %lt3A_196 = vector.broadcast %add3A_61 : i32 to vector<16xi32>
        %lt3A_197 = arith.cmpi slt, %add3A_186, %lt3A_196 : vector<16xi32>
        %jit3A_198 = arith.constant 16384 : i32
        %broadcast_in_dim3A_199 = vector.broadcast %jit3A_198 : i32 to vector<16xi32>
        %select_n3A_200 = arith.select %lt3A_197, %sub3A_195, %broadcast_in_dim3A_199 : vector<16xi1>, vector<16xi32>
        %swap3A_201 = arith.constant 0 : i32
        %swap3A_202 = arith.index_cast %swap3A_201 : i32 to index
        %swap3A_203 = arith.constant 64 : index
        %swap3A_204 = tpu.vector_load %arg10[%swap3A_202, %swap3A_203] {strides = array<i32>} : memref<1x128xi32, #tpu.memory_space<vmem>>, vector<16xi32>,
        tpu.vector_store %arg10[%swap3A_202, %swap3A_203], %select_n3A_200 {strides = array<i32>} : memref<1x128xi32, #tpu.memory_space<vmem>>, vector<16xi32>,
        %iota3A_205 = tpu.iota {dimensions = array<i32: 0>} : vector<16xi32>
        %add3A_206 = arith.constant 80 : i32
        %add3A_207 = arith.addi %multiple_of3A, %add3A_206 : i32
        %add3A_208 = vector.broadcast %add3A_207 : i32 to vector<16xi32>
        %add3A_209 = arith.addi %add3A_208, %iota3A_205 : vector<16xi32>
        %add3A_210 = arith.constant 80 : i32
        %add3A_211 = arith.addi %multiple_of3A, %add3A_210 : i32
        %get3A_212 = arith.index_cast %add3A_211 : i32 to index
        %get3A_213 = tpu.vector_load %arg7[%get3A_212] {strides = array<i32>} : memref<16776xi32, #tpu.memory_space<vmem>>, vector<16xi32>,
        %sub3A_214 = vector.broadcast %mul3A_0 : i32 to vector<16xi32>
        %sub3A_215 = arith.subi %get3A_213, %sub3A_214 : vector<16xi32>
        %gather3A_216 = tpu.vector_load_idx %arg6[%sub3A_215] : memref<16384xi32, #tpu.memory_space<vmem>>[vector<16xi32>], vector<16xi32>,
        %sub3A_217 = vector.broadcast %mul3A_47 : i32 to vector<16xi32>
        %sub3A_218 = arith.subi %gather3A_216, %sub3A_217 : vector<16xi32>
        %lt3A_219 = vector.broadcast %add3A_61 : i32 to vector<16xi32>
        %lt3A_220 = arith.cmpi slt, %add3A_209, %lt3A_219 : vector<16xi32>
        %jit3A_221 = arith.constant 16384 : i32
        %broadcast_in_dim3A_222 = vector.broadcast %jit3A_221 : i32 to vector<16xi32>
        %select_n3A_223 = arith.select %lt3A_220, %sub3A_218, %broadcast_in_dim3A_222 : vector<16xi1>, vector<16xi32>
        %swap3A_224 = arith.constant 0 : i32
        %swap3A_225 = arith.index_cast %swap3A_224 : i32 to index
        %swap3A_226 = arith.constant 80 : index
        %swap3A_227 = tpu.vector_load %arg10[%swap3A_225, %swap3A_226] {strides = array<i32>} : memref<1x128xi32, #tpu.memory_space<vmem>>, vector<16xi32>,
        tpu.vector_store %arg10[%swap3A_225, %swap3A_226], %select_n3A_223 {strides = array<i32>} : memref<1x128xi32, #tpu.memory_space<vmem>>, vector<16xi32>,
        %iota3A_228 = tpu.iota {dimensions = array<i32: 0>} : vector<16xi32>
        %add3A_229 = arith.constant 96 : i32
        %add3A_230 = arith.addi %multiple_of3A, %add3A_229 : i32
        %add3A_231 = vector.broadcast %add3A_230 : i32 to vector<16xi32>
        %add3A_232 = arith.addi %add3A_231, %iota3A_228 : vector<16xi32>
        %add3A_233 = arith.constant 96 : i32
        %add3A_234 = arith.addi %multiple_of3A, %add3A_233 : i32
        %get3A_235 = arith.index_cast %add3A_234 : i32 to index
        %get3A_236 = tpu.vector_load %arg7[%get3A_235] {strides = array<i32>} : memref<16776xi32, #tpu.memory_space<vmem>>, vector<16xi32>,
        %sub3A_237 = vector.broadcast %mul3A_0 : i32 to vector<16xi32>
        %sub3A_238 = arith.subi %get3A_236, %sub3A_237 : vector<16xi32>
        %gather3A_239 = tpu.vector_load_idx %arg6[%sub3A_238] : memref<16384xi32, #tpu.memory_space<vmem>>[vector<16xi32>], vector<16xi32>,
        %sub3A_240 = vector.broadcast %mul3A_47 : i32 to vector<16xi32>
        %sub3A_241 = arith.subi %gather3A_239, %sub3A_240 : vector<16xi32>
        %lt3A_242 = vector.broadcast %add3A_61 : i32 to vector<16xi32>
        %lt3A_243 = arith.cmpi slt, %add3A_232, %lt3A_242 : vector<16xi32>
        %jit3A_244 = arith.constant 16384 : i32
        %broadcast_in_dim3A_245 = vector.broadcast %jit3A_244 : i32 to vector<16xi32>
        %select_n3A_246 = arith.select %lt3A_243, %sub3A_241, %broadcast_in_dim3A_245 : vector<16xi1>, vector<16xi32>
        %swap3A_247 = arith.constant 0 : i32
        %swap3A_248 = arith.index_cast %swap3A_247 : i32 to index
        %swap3A_249 = arith.constant 96 : index
        %swap3A_250 = tpu.vector_load %arg10[%swap3A_248, %swap3A_249] {strides = array<i32>} : memref<1x128xi32, #tpu.memory_space<vmem>>, vector<16xi32>,
        tpu.vector_store %arg10[%swap3A_248, %swap3A_249], %select_n3A_246 {strides = array<i32>} : memref<1x128xi32, #tpu.memory_space<vmem>>, vector<16xi32>,
        %iota3A_251 = tpu.iota {dimensions = array<i32: 0>} : vector<16xi32>
        %add3A_252 = arith.constant 112 : i32
        %add3A_253 = arith.addi %multiple_of3A, %add3A_252 : i32
        %add3A_254 = vector.broadcast %add3A_253 : i32 to vector<16xi32>
        %add3A_255 = arith.addi %add3A_254, %iota3A_251 : vector<16xi32>
        %add3A_256 = arith.constant 112 : i32
        %add3A_257 = arith.addi %multiple_of3A, %add3A_256 : i32
        %get3A_258 = arith.index_cast %add3A_257 : i32 to index
        %get3A_259 = tpu.vector_load %arg7[%get3A_258] {strides = array<i32>} : memref<16776xi32, #tpu.memory_space<vmem>>, vector<16xi32>,
        %sub3A_260 = vector.broadcast %mul3A_0 : i32 to vector<16xi32>
        %sub3A_261 = arith.subi %get3A_259, %sub3A_260 : vector<16xi32>
        %gather3A_262 = tpu.vector_load_idx %arg6[%sub3A_261] : memref<16384xi32, #tpu.memory_space<vmem>>[vector<16xi32>], vector<16xi32>,
        %sub3A_263 = vector.broadcast %mul3A_47 : i32 to vector<16xi32>
        %sub3A_264 = arith.subi %gather3A_262, %sub3A_263 : vector<16xi32>
        %lt3A_265 = vector.broadcast %add3A_61 : i32 to vector<16xi32>
        %lt3A_266 = arith.cmpi slt, %add3A_255, %lt3A_265 : vector<16xi32>
        %jit3A_267 = arith.constant 16384 : i32
        %broadcast_in_dim3A_268 = vector.broadcast %jit3A_267 : i32 to vector<16xi32>
        %select_n3A_269 = arith.select %lt3A_266, %sub3A_264, %broadcast_in_dim3A_268 : vector<16xi1>, vector<16xi32>
        %swap3A_270 = arith.constant 0 : i32
        %swap3A_271 = arith.index_cast %swap3A_270 : i32 to index
        %swap3A_272 = arith.constant 112 : index
        %swap3A_273 = tpu.vector_load %arg10[%swap3A_271, %swap3A_272] {strides = array<i32>} : memref<1x128xi32, #tpu.memory_space<vmem>>, vector<16xi32>,
        tpu.vector_store %arg10[%swap3A_271, %swap3A_272], %select_n3A_269 {strides = array<i32>} : memref<1x128xi32, #tpu.memory_space<vmem>>, vector<16xi32>,
        %dma_start3A = tpu.memref_slice %arg7[%multiple_of3A] : memref<16776xi32, #tpu.memory_space<vmem>> -> memref<128xi32, #tpu.memory_space<vmem>>
        %dma_start3A_274 = arith.constant 0 : i32
        %dma_start3A_275 = arith.constant 0 : i32
        %dma_start3A_276 = tpu.memref_slice %arg3[%dma_start3A_274, %dma_start3A_275] : memref<262144x64xf32, #tpu.memory_space<hbm>> -> memref<262144x64xf32, #tpu.memory_space<hbm>>
        tpu.enqueue_indirect_dma source(%dma_start3A_276 : memref<262144x64xf32, #tpu.memory_space<hbm>>) target(%arg11 : memref<128x64xf32, #tpu.memory_space<vmem>>) offsets(%dma_start3A : memref<128xi32, #tpu.memory_space<vmem>>) semaphore(%arg13 : memref<!tpu.dma_semaphore, #tpu.memory_space<semaphore_mem>>)
        %dma_wait3A = tpu.memref_slice %arg7[%multiple_of3A] : memref<16776xi32, #tpu.memory_space<vmem>> -> memref<128xi32, #tpu.memory_space<vmem>>
        %dma_wait3A_277 = arith.constant 0 : i32
        %dma_wait3A_278 = arith.constant 0 : i32
        %dma_wait3A_279 = tpu.memref_slice %arg3[%dma_wait3A_277, %dma_wait3A_278] : memref<262144x64xf32, #tpu.memory_space<hbm>> -> memref<262144x64xf32, #tpu.memory_space<hbm>>
        tpu.wait_indirect_dma semaphore(%arg13 : memref<!tpu.dma_semaphore, #tpu.memory_space<semaphore_mem>>) src(%dma_wait3A_279 : memref<262144x64xf32, #tpu.memory_space<hbm>>) dst(%arg11 : memref<128x64xf32, #tpu.memory_space<vmem>>)
        %run_scoped3A = arith.constant 0 : i32
        "tpu.region"() ({
          %run_scoped3A_281 = tpu.sem_alloc : memref<!tpu.dma_semaphore, #tpu.memory_space<semaphore_mem>>
          %dma_start3A_282 = arith.constant 0 : i32
          %dma_start3A_283 = tpu.memref_slice %arg10[%run_scoped3A, %dma_start3A_282] : memref<1x128xi32, #tpu.memory_space<vmem>> -> memref<1x128xi32, #tpu.memory_space<vmem>>
          %dma_start3A_284 = tpu.memref_squeeze %dma_start3A_283 : memref<1x128xi32, #tpu.memory_space<vmem>> -> memref<128xi32, #tpu.memory_space<vmem>>
          %dma_start3A_285 = arith.constant 0 : i32
          %dma_start3A_286 = arith.constant 0 : i32
          %dma_start3A_287 = tpu.memref_slice %arg12[%dma_start3A_285, %dma_start3A_286] : memref<16385x64xf32, #tpu.memory_space<vmem_shared>> -> memref<16385x64xf32, #tpu.memory_space<vmem_shared>>
          tpu.enqueue_indirect_dma source(%arg11 : memref<128x64xf32, #tpu.memory_space<vmem>>) target(%dma_start3A_287 : memref<16385x64xf32, #tpu.memory_space<vmem_shared>>) offsets(%dma_start3A_284 : memref<128xi32, #tpu.memory_space<vmem>>) semaphore(%run_scoped3A_281 : memref<!tpu.dma_semaphore, #tpu.memory_space<semaphore_mem>>) {add = true}
          %dma_wait3A_288 = arith.constant 0 : i32
          %dma_wait3A_289 = tpu.memref_slice %arg10[%run_scoped3A, %dma_wait3A_288] : memref<1x128xi32, #tpu.memory_space<vmem>> -> memref<1x128xi32, #tpu.memory_space<vmem>>
          %dma_wait3A_290 = tpu.memref_squeeze %dma_wait3A_289 : memref<1x128xi32, #tpu.memory_space<vmem>> -> memref<128xi32, #tpu.memory_space<vmem>>
          %dma_wait3A_291 = arith.constant 0 : i32
          %dma_wait3A_292 = arith.constant 0 : i32
          %dma_wait3A_293 = tpu.memref_slice %arg12[%dma_wait3A_291, %dma_wait3A_292] : memref<16385x64xf32, #tpu.memory_space<vmem_shared>> -> memref<16385x64xf32, #tpu.memory_space<vmem_shared>>
          tpu.wait_indirect_dma semaphore(%run_scoped3A_281 : memref<!tpu.dma_semaphore, #tpu.memory_space<semaphore_mem>>) src(%arg11 : memref<128x64xf32, #tpu.memory_space<vmem>>) dst(%dma_wait3A_293 : memref<16385x64xf32, #tpu.memory_space<vmem_shared>>)
          tpu.yield
        }) : () -> ()
        %while3A_280 = arith.constant 0 : i32
        scf.yield %while3A_280 : i32
      }
      %barrier3A_76 = arith.constant 0 : index
      tpu.barrier barrier_id(%barrier3A_76)
      %not3A_77 = arith.constant true
      %not3A_78 = arith.xori %ge3A_48, %not3A_77 : i1
      %convert_element_type3A_79 = arith.extui %not3A_78 : i1 to i32
      %cond3A_80 = arith.constant 0 : i32
      %cond3A_81 = arith.cmpi ne, %convert_element_type3A_79, %cond3A_80 : i32
      scf.if %cond3A_81 {
        %mul3A_93 = arith.constant 1024 : i32
        %mul3A_94 = arith.muli %arg1, %mul3A_93 : i32
        %mul3A_95 = arith.constant 1024 : i32
        %mul3A_96 = arith.muli %arg1, %mul3A_95 : i32
        %add3A_97 = arith.addi %mul3A_47, %mul3A_96 : i32
        "tpu.region"() ({
          %run_scoped3A = tpu.sem_alloc : memref<!tpu.dma_semaphore, #tpu.memory_space<semaphore_mem>>
          %dma_start3A = arith.constant 0 : i32
          %dma_start3A_98 = tpu.memref_slice %arg5[%add3A_97, %dma_start3A] : memref<1000000x64xf32, #tpu.memory_space<hbm>> -> memref<1024x64xf32, #tpu.memory_space<hbm>>
          %dma_start3A_99 = arith.constant 0 : i32
          %dma_start3A_100 = tpu.memref_slice %arg12[%mul3A_94, %dma_start3A_99] : memref<16385x64xf32, #tpu.memory_space<vmem_shared>> -> memref<1024x64xf32, #tpu.memory_space<vmem_shared>>
          tpu.enqueue_dma source(%dma_start3A_100 : memref<1024x64xf32, #tpu.memory_space<vmem_shared>>) target(%dma_start3A_98 : memref<1024x64xf32, #tpu.memory_space<hbm>>) target_semaphore(%run_scoped3A : memref<!tpu.dma_semaphore, #tpu.memory_space<semaphore_mem>>)
          %dma_wait3A = arith.constant 0 : i32
          %dma_wait3A_101 = tpu.memref_slice %arg5[%add3A_97, %dma_wait3A] : memref<1000000x64xf32, #tpu.memory_space<hbm>> -> memref<1024x64xf32, #tpu.memory_space<hbm>>
          %dma_wait3A_102 = arith.constant 0 : i32
          %dma_wait3A_103 = tpu.memref_slice %arg12[%mul3A_94, %dma_wait3A_102] : memref<16385x64xf32, #tpu.memory_space<vmem_shared>> -> memref<1024x64xf32, #tpu.memory_space<vmem_shared>>
          tpu.wait_dma2 semaphore(%run_scoped3A : memref<!tpu.dma_semaphore, #tpu.memory_space<semaphore_mem>>) src(%dma_wait3A_103 : memref<1024x64xf32, #tpu.memory_space<vmem_shared>>) dst(%dma_wait3A_101 : memref<1024x64xf32, #tpu.memory_space<hbm>>)
          tpu.yield
        }) : () -> ()
      } else {
      }
      %eq3A_82 = arith.constant 0 : i32
      %eq3A_83 = arith.cmpi eq, %arg1, %eq3A_82 : i32
      %and3A_84 = arith.andi %ge3A_48, %eq3A_83 : i1
      %convert_element_type3A_85 = arith.extui %and3A_84 : i1 to i32
      %cond3A_86 = arith.constant 0 : i32
      %cond3A_87 = arith.cmpi ne, %convert_element_type3A_85, %cond3A_86 : i32
      scf.if %cond3A_87 {
        "tpu.region"() ({
          %run_scoped3A = tpu.sem_alloc : memref<!tpu.dma_semaphore, #tpu.memory_space<semaphore_mem>>
          %dma_start3A = arith.constant 0 : i32
          %dma_start3A_93 = tpu.memref_slice %arg5[%mul3A_47, %dma_start3A] : memref<1000000x64xf32, #tpu.memory_space<hbm>> -> memref<576x64xf32, #tpu.memory_space<hbm>>
          %dma_start3A_94 = arith.constant 0 : i32
          %dma_start3A_95 = arith.constant 0 : i32
          %dma_start3A_96 = tpu.memref_slice %arg12[%dma_start3A_94, %dma_start3A_95] : memref<16385x64xf32, #tpu.memory_space<vmem_shared>> -> memref<576x64xf32, #tpu.memory_space<vmem_shared>>
          tpu.enqueue_dma source(%dma_start3A_96 : memref<576x64xf32, #tpu.memory_space<vmem_shared>>) target(%dma_start3A_93 : memref<576x64xf32, #tpu.memory_space<hbm>>) target_semaphore(%run_scoped3A : memref<!tpu.dma_semaphore, #tpu.memory_space<semaphore_mem>>)
          %dma_wait3A = arith.constant 0 : i32
          %dma_wait3A_97 = tpu.memref_slice %arg5[%mul3A_47, %dma_wait3A] : memref<1000000x64xf32, #tpu.memory_space<hbm>> -> memref<576x64xf32, #tpu.memory_space<hbm>>
          %dma_wait3A_98 = arith.constant 0 : i32
          %dma_wait3A_99 = arith.constant 0 : i32
          %dma_wait3A_100 = tpu.memref_slice %arg12[%dma_wait3A_98, %dma_wait3A_99] : memref<16385x64xf32, #tpu.memory_space<vmem_shared>> -> memref<576x64xf32, #tpu.memory_space<vmem_shared>>
          tpu.wait_dma2 semaphore(%run_scoped3A : memref<!tpu.dma_semaphore, #tpu.memory_space<semaphore_mem>>) src(%dma_wait3A_100 : memref<576x64xf32, #tpu.memory_space<vmem_shared>>) dst(%dma_wait3A_97 : memref<576x64xf32, #tpu.memory_space<hbm>>)
          tpu.yield
        }) : () -> ()
      } else {
      }
      %add3A_88 = arith.constant 7 : i32
      %add3A_89 = arith.addi %reduce_sum3A_60, %add3A_88 : i32
      %and3A_90 = arith.constant -8 : i32
      %and3A_91 = arith.andi %add3A_89, %and3A_90 : i32
      %add3A_92 = arith.addi %scan3A_45, %and3A_91 : i32
      scf.yield %add3A_92 : i32
    }
    %scan3A_43 = arith.constant 31 : i32
    return
  }
}

</mosaic_0001>

<sc_bundles>
// kernel: _scatter_add.3.cloned.1.call-start
scs
__scs_entry_jumppad:
0x0: {  	(pc) =	sbr.rel $0x88, $3  }
0x1: {  	(tag) =	ssettag $0x0;
	lr =	simm.s32 $0x1  }
0x2: {  	[smem:$0x3F9E] =	sst lr;
	_ =	strace $0xD0000000  }
0x3: {  	_ = 	snop  }
0x4: {  	_ = 	snop  }
0x5: {  	_ = 	snop  }
0x6: {  	_ = 	snop  }
0x7: {  	_ = 	snop  }
__scs_overlays_trampoline_lowered:
0x8: {  	[smem:$0x3FAD] =	sst s0  }
0x9: {  	[smem:$0x3FAE] =	sst s1  }
0xa: {  	[smem:$0x3FAF] =	sst s2  }
0xb: {  	[smem:$0x3FB0] =	sst s3  }
0xc: {  	[smem:$0x3FB1] =	sst s4  }
0xd: {  	[smem:$0x3FB2] =	sst s5  }
0xe: {  	[smem:$0x3FB3] =	sst s6  }
0xf: {  	[smem:$0x3FB4] =	sst s7  }
0x10: {  	[smem:$0x3FB5] =	sst s8  }
0x11: {  	[smem:$0x3FB6] =	sst s9;
	s0 =	simm.s32 @!p0 $0x0  }
0x12: {  	s1 =	sld [smem:$0x3F9C];
	s0 =	simm.s32 @p0 $0x1  }
0x13: {  	[smem:$0x3FB7] =	sst s0;
	s0 =	simm.s32 @!p1 $0x0  }
0x14: {  	s2 =	sld [smem:$0x3F9B];
	s0 =	simm.s32 @p1 $0x1  }
0x15: {  	[smem:$0x3FB8] =	sst s0;
	s0 =	simm.s32 @!p2 $0x0  }
0x16: {  	s3 =	sld [smem:$0x3FDB];
	s0 =	simm.s32 @p2 $0x1  }
0x17: {  	s4 =	simm.s32 $0x1BF5;
	[smem:$0x3FBA] =	sst s0  }
0x18: {  	s0 =	sld [smem:$0x3F9D];
	_ =	swait.ge [sflag:s4], $0x0  }
0x19: {  	s7 =	sld [smem:$0x3F9E]  }
0x1a: {  	s8 =	sadd.s32 $0xFFFFE003, lr  }
0x1b: {  	s9 =	sadd.s32 $0xFFFFFEF7, lr;
	s5 =	simm.s32 $0xFFFFFFFF;
	p2 =	slt.u32 s8, $0xFFFFF086  }
0x1c: {  	p1 =	slt.u32 s9, $0xF7A;
	s5 =	simm.s32 @!p2 $0x0  }
0x1d: {  	s5 =	simm.s32 @p1 $0x1;
	p0 =	seq.s32 s7, s2  }
0x1e: {  	s7 =	smul.u32 @!p0 $0xF7A, s2;
	p2 =	seq.s32 @!p0 s5, $0x0  }
0x1f: {  	s9 =	smul.u32 $0xF7A, s1;
	s8 =	simm.s32 @!p0 $0x1BF5;
	p2 =	por !p2, p0  }
0x20: {  	[sflag:s8] =	ssyncset.s32 @!p0 $0xFFFFF086;
	s6 =	sadd.s32 @!p0 s3, s7;
	s7 =	simm.s32 @!p0 $0x108  }
0x21: {  	s3 =	sadd.s32 s3, s9;
	s6 =	sadd.s32 @!p0 $0x88, s6;
	s7 =	simm.s32 @p2 $0x1082  }
0x22: {  	[simem:s7], [sflag:s8] =	dma.local @!p0 [hbm:s6], $0xF7A  }
0x23: {  	s9 =	sor.u32 $0xD0000000, s2;
	s6 =	simm.s32 $0x108;
	_ =	swait.ge @!p0 [sflag:s8], $0x0  }
0x24: {  	s3 =	sadd.s32 $0x88, s3;
	s6 =	simm.s32 @!p1 $0x1082;
	[sflag:s4] =	ssyncset.s32 $0xFFFFF086  }
0x25: {  	[simem:s6], [sflag:s4] =	dma.local [hbm:s3], $0xF7A  }
0x26: {  	[smem:$0x3F9E] =	sst s1;
	(tag) =	ssettag s2;
	_ =	strace s9  }
0x27: {  	s1 =	sld [smem:$0x3FAE]  }
0x28: {  	s2 =	sld [smem:$0x3FAF]  }
0x29: {  	s4 =	sld [smem:$0x3FB1]  }
0x2a: {  	p0 =	seq.s32 s5, $0x0;
	s5 =	sld [smem:$0x3FB2]  }
0x2b: {  	s6 =	sld [smem:$0x3FB3]  }
0x2c: {  	s7 =	sld [smem:$0x3FB4]  }
0x2d: {  	s3 =	simm.s32 $0x108;
	s8 =	sld [smem:$0x3FB5]  }
0x2e: {  	s3 =	simm.s32 @!p0 $0x1082;
	s9 =	sld [smem:$0x3FB6]  }
0x2f: {  	lr =	sadd.s32 s0, s3;
	s0 =	sld [smem:$0x3FAD]  }
0x30: {  	s3 =	sld [smem:$0x3FB0]  }
0x31: {  	[smem:$0x3FB9] =	sst s10  }
0x32: {  	s10 =	sld [smem:$0x3FB7];
	_ =	sdelay $0x3  }
0x33: {  	p0 =	seq.s32 s10, $0x1;
	s10 =	sld [smem:$0x3FB9];
	_ =	sdelay $0x3  }
0x34: {  	[smem:$0x3FB9] =	sst s10  }
0x35: {  	s10 =	sld [smem:$0x3FB8];
	_ =	sdelay $0x3  }
0x36: {  	p1 =	seq.s32 s10, $0x1;
	s10 =	sld [smem:$0x3FB9];
	_ =	sdelay $0x3  }
0x37: {  	[smem:$0x3FB9] =	sst s10  }
0x38: {  	s10 =	sld [smem:$0x3FBA]  }
0x39: {  	_ = 	snop;
	(pc) =	sbr.ind lr, $3  }
0x3a: {  	_ = 	snop  }
0x3b: {  	_ = 	snop  }
0x3c: {  	p2 =	seq.s32 s10, $0x1;
	s10 =	sld [smem:$0x3FB9]  }
0x3d: {  	_ =	shalt  }
0x3e: {  	_ =	shalt  }
0x3f: {  	_ =	shalt  }
0x40: {  	_ =	shalt  }
0x41: {  	_ =	shalt  }
0x42: {  	_ =	shalt  }
0x43: {  	_ =	shalt  }
0x44: {  	_ =	shalt  }
0x45: {  	_ =	shalt  }
0x46: {  	_ =	shalt  }
0x47: {  	_ =	shalt  }
0x48: {  	_ =	shalt  }
0x49: {  	_ =	shalt  }
0x4a: {  	_ =	shalt  }
0x4b: {  	_ =	shalt  }
0x4c: {  	_ =	shalt  }
0x4d: {  	_ =	shalt  }
0x4e: {  	_ =	shalt  }
0x4f: {  	_ =	shalt  }
0x50: {  	_ =	shalt  }
0x51: {  	_ =	shalt  }
0x52: {  	_ =	shalt  }
0x53: {  	_ =	shalt  }
0x54: {  	_ =	shalt  }
0x55: {  	_ =	shalt  }
0x56: {  	_ =	shalt  }
0x57: {  	_ =	shalt  }
0x58: {  	_ =	shalt  }
0x59: {  	_ =	shalt  }
0x5a: {  	_ =	shalt  }
0x5b: {  	_ =	shalt  }
0x5c: {  	_ =	shalt  }
0x5d: {  	_ =	shalt  }
0x5e: {  	_ =	shalt  }
0x5f: {  	_ =	shalt  }
0x60: {  	_ =	shalt  }
0x61: {  	_ =	shalt  }
0x62: {  	_ =	shalt  }
0x63: {  	_ =	shalt  }
0x64: {  	_ =	shalt  }
0x65: {  	_ =	shalt  }
0x66: {  	_ =	shalt  }
0x67: {  	_ =	shalt  }
0x68: {  	_ =	shalt  }
0x69: {  	_ =	shalt  }
0x6a: {  	_ =	shalt  }
0x6b: {  	_ =	shalt  }
0x6c: {  	_ =	shalt  }
0x6d: {  	_ =	shalt  }
0x6e: {  	_ =	shalt  }
0x6f: {  	_ =	shalt  }
0x70: {  	_ =	shalt  }
0x71: {  	_ =	shalt  }
0x72: {  	_ =	shalt  }
0x73: {  	_ =	shalt  }
0x74: {  	_ =	shalt  }
0x75: {  	_ =	shalt  }
0x76: {  	_ =	shalt  }
0x77: {  	_ =	shalt  }
0x78: {  	_ =	shalt  }
0x79: {  	_ =	shalt  }
0x7a: {  	_ =	shalt  }
0x7b: {  	_ =	shalt  }
0x7c: {  	_ =	shalt  }
0x7d: {  	_ =	shalt  }
0x7e: {  	_ =	shalt  }
0x7f: {  	_ =	shalt  }
0x80: {  	_ =	shalt  }
0x81: {  	_ =	shalt  }
0x82: {  	_ =	shalt  }
0x83: {  	_ =	shalt  }
0x84: {  	_ =	shalt  }
0x85: {  	_ =	shalt  }
0x86: {  	_ =	shalt  }
0x87: {  	_ =	shalt  }
.Lfunc_end0:
.L_simem_size_0:
called_computation.1_lowered:
.L_overlay_start_0:
0x88: {  	s2 =	sld [smem:$0x3FD9]  }
0x89: {  	s3 =	sld [smem:$0x3FFE];
	_ =	sdelay $0x1  }
0x8a: {  	s1 =	srdreg.scid  }
0x8b: {  	s0 =	sand.u32 $0x1, s1  }
0x8c: {  	s17 =	sshll.u32 s0, $0xA;
	s2 =	sadd.s32 s3, s2  }
0x8d: {  	s2 =	sadd.s32 s2, s17  }
0x8e: {  	[smem:$0x3FC5] =	sst s2  }
0x8f: {  	_ = 	snop  }
0x90: {  	s2 =	sld [smem:$0x3FC7]  }
0x91: {  	s18 =	sld [smem:$0x3FD0];
	(tm) =	ssettm $0x1  }
0x92: {  	s4 =	sld [smem:$0x3FFB];
	_ =	sdelay $0x3  }
0x93: {  	_ =	strace s4  }
0x94: {  	s4 =	sld [smem:$0x3FFC];
	_ =	sdelay $0x3  }
0x95: {  	_ =	strace s4  }
0x96: {  	s4 =	sld [smem:$0x3FFD];
	_ =	sdelay $0x3  }
0x97: {  	_ =	strace s4  }
0x98: {  	_ =	strace $0x8FFFFFFF  }
0x99: {  	s19 =	sld [smem:$0x3FDB];
	_ =	sdelay $0x1  }
0x9a: {  	s5 =	simm.s32 $_scs_section_size  }
0x9b: {  	s6 =	simm.s32 $_size__tile_overlayer_lowered;
	s7 =	simm.s32 $_tile_overlayer_lowered  }
0x9c: {  	s22 =	simm.s32 $0x1BFF;
	s21 =	sshll.u32 s7, $0x1;
	s4 =	sadd.s32 s5, s19  }
0x9d: {  	s8 =	simm.s32 $0x0;
	s20 =	sshll.u32 s6, $0x1;
	s6 =	sadd.s32 s21, s4  }
0x9e: {  	[timem:s8], [sflag:s22] =	dma.local [hbm:s6], s20  }
0x9f: {  	_ =	swait.ge [sflag:s22], s20  }
0xa0: {  	s5 =	ssub.s32 $0x0, s20;
	[sflag:s22] =	ssyncset.done $0x0  }
0xa1: {  	[sflag:s22] =	ssyncadd.s32 s5;
	_ =	sdelay $0x1  }
0xa2: {  	s23 =	simm.s32 $0x1B8B  }
0xa3: {  	_ =	swait.ge [sflag:s23], $0x1  }
0xa4: {  	[sflag:s23] =	ssyncset.done $0x0  }
0xa5: {  	s25 =	simm.s32 $0x1B8E;
	s24 =	sld [smem:$0x3FFE];
	[sflag:s23] =	ssyncadd.s32 $0xFFFFFFFF  }
0xa6: {  	s26 =	simm.s32 $execute0_lowered;
	[smem:$0x3FD2] =	sst s25  }
0xa7: {  	s6 =	sshll.u32 s26, $0x1;
	_ =	strace $0x80000046;
	[dreg:$0x1] =	wrdreg $0xFFFFFFFF  }
0xa8: {  	s28 =	simm.s32 $_size_execute0_lowered;
	s4 =	sadd.s32 s4, s6;
	[dreg:$0x0] =	wrdreg $0x0  }
0xa9: {  	s6 =	sshll.u32 s28, $0x1;
	[dreg:$0x2] =	wrdreg s4  }
0xaa: {  	[dreg:$0x3] =	wrdreg s6  }
0xab: {  	[dreg:$0x4] =	wrdreg $0xC0  }
0xac: {  	_ =	task [dreg:s8], $0x5FFFF  }
0xad: {  	[dreg:$0x1] =	wrdreg $0xFFFFFFFF  }
0xae: {  	[dreg:$0x0] =	wrdreg $0x60  }
0xaf: {  	[dreg:$0x2] =	wrdreg s18  }
0xb0: {  	[dreg:$0x3] =	wrdreg s24  }
0xb1: {  	[dreg:$0x4] =	wrdreg s2  }
0xb2: {  	[dreg:$0x5] =	wrdreg $0xA9C80  }
0xb3: {  	[dreg:$0x6] =	wrdreg $0x9  }
0xb4: {  	_ =	task.clear_ibuf [dreg:s8], $0x7FFFF;
	_ =	strace $0x90000046  }
0xb5: {  	s29 =	simm.s32 $0x9;
	_ =	strace $0x80000048  }
0xb6: {  	_ =	swait.ge [sflag:s29], $0x1  }
0xb7: {  	[sflag:s29] =	ssyncadd.s32 $0xFFFFFFFF  }
0xb8: {  	_ =	strace $0x90000048  }
0xb9: {  	_ =	sfence  }
0xba: {  	s30 =	sld [smem:$0x0];
	_ =	sdelay $0x2  }
0xbb: {  	s31 =	sshll.u32 s1, $0xD;
	s1 =	sshrl.u32 s1, $0x2  }
0xbc: {  	s3 =	sand.u32 $0x4000, s31;
	s1 =	sadd.s32 s1, s30  }
0xbd: {  	s0 =	sor.u32 s3, s0;
	s1 =	sshll.u32 s1, $0x11  }
0xbe: {  	s0 =	sor.u32 s1, s0  }
0xbf: {  	s0 =	sadd.s32 $0x8F2B, s0  }
0xc0: {  	[sflag:s0] =	ssyncadd.remote.s32 $0x1  }
0xc1: {  	_ =	sfence.sel $0xFFFF  }
0xc2: {  	[dreg:$0x0] =	wrdreg $0xFFFFFFFF;
	(pc) =	sbr.abs _section_cstart, $3  }
0xc3: {  	[dreg:$0x1] =	wrdreg $0xFFFFFFFF  }
0xc4: {  	_ =	task.clear_ibuf [dreg:s8], $0x2FFFF;
	_ =	strace $0x9FFFFFFF  }
0xc5: {  	(tm) =	ssettm $0x7FFFFFFF  }
tec
execute0_lowered:
.L_overlay_start_1:
0x0: {  	(tag) =	ssettag $0x1  }
0x1: {  	s0 =	rddreg [dreg:$0x0]  }
0x2: {  	s7 =	rddreg [dreg:$0x1]  }
0x3: {  	s8 =	rddreg [dreg:$0x2]  }
0x4: {  	s1 =	rddreg [dreg:$0x3];
	s2 =	srdreg.scid  }
0x5: {  	s3 =	simm.s32 $0x0;
	s15 =	simm.s32 $0x2;
	s16 =	simm.s32 $0x8188  }
0x6: {  	s17 =	simm.s32 $0x8568;
	s18 =	simm.s32 $0x4000;
	s19 =	simm.s32 $0x80  }
0x7: {  	s20 =	simm.s32 $0x89C8;
	s21 =	simm.s32 $0x1;
	s22 =	simm.s32 $0x8948  }
0x8: {  	s23 =	simm.s32 $0x0;
	s13 =	sand.u32 $0x1, s2;
	[smem:$0x7FF] =	sst s3  }
0x9: {  	s2 =	stileid.u32;
	s4 =	sadd.s32 $0x800, s7;
	s12 =	sadd.s32 $0x9A0800, s7  }
0xa: {  	s5 =	ssub.s32 $0x2, s13;
	_ =	strace $0x80000047;
	s10 =	sshll.u32 s2, $0xD  }
0xb: {  	s9 =	sshll.u32 s2, $0xB;
	s29 =	sshll.u32 s2, $0x10;
	s31 =	smul.u32 $0xFFFFFFE1, s13  }
.Ltmp0:
0xc: {  	s6 =	sshrl.u32 s5, $0x1;
	s11 =	sadd.s32 s10, s7;
	(pc) =	sbr.rel .LBB2_1-.Ltmp0, $4  }
0xd: {  	s8 =	sadd.s32 s8, s9;
	s9 =	sadd.s32 s29, s1;
	s10 =	sadd.s32 s0, s10  }
0xe: {  	s14 =	ssub.s32 s5, s6;
	s6 =	smul.u32 $0x1F, s13;
	[dreg:$0x5] =	wrdreg s8  }
0xf: {  	v2 =	vlaneseq.u32;
	v3 =	vimm.s32 $0x0;
	v4 =	vimm.s32 $0x1;
	s5 =	sshll.u32 s2, $0xE;
	[dreg:$0x7] =	wrdreg s31;
	s30 =	smax.u32 s14, $0x1  }
0x10: {  	v5 =	vadd.s32 $0x4178, v2;
	s8 =	sadd.s32 $0x7A0000, s0;
	s11 =	sadd.s32 $0x200800, s11;
	v0 =	vmov s5;
	[dreg:$0x6] =	wrdreg s30;
	v1 =	vmov s6  }
.LBB2_16:
0x11: {  	s23 =	sadd.s32 $0x1, s23;
	s0 =	rddreg [dreg:$0x6]  }
0x12: {  	p0 =	sne.s32 s23, s0  }
.Ltmp1:
0x13: {  	_ = 	snop;
	(pc) =	sbr.rel @!p0 .LBB2_17-.Ltmp1, $1  }
0x14: {  	_ =	sdelay $0x3  }
.LBB2_1:
0x15: {  	s0 =	rddreg [dreg:$0x5]  }
0x16: {  	[tilespmem:s3], [sflag:$0x2] =	stream.linear.gather [hbm4b:s0+s3], $0x4000, $0x38;
	[tilespmem:$0x1A9D0] =	vst v63  }
0x17: {  	_ =	swait.ge [sflag:s15], $0x4000  }
0x18: {  	[sflag:s15] =	ssyncset.done $0x0  }
0x19: {  	s7 =	simm.s32 $0x0;
	s0 =	simm.s32 $0x40;
	[sflag:s15] =	ssyncadd.s32 $0xFFFFC000  }
.LBB2_2:
0x1a: {  	p0 =	sne.s32 s0, $0x105C0;
	[tilespmem:s7+$0x4000] =	vst v0;
	s7 =	smov.u32 s0;
	s0 =	sadd.s32 $0x40, s0  }
.Ltmp2:
0x1b: {  	(pc) =	sbr.rel @p0 .LBB2_2-.Ltmp2, $2  }
0x1c: {  	_ =	sdelay $0x2  }
0x1d: {  	s7 =	sshra.s32 s7, $0x2  }
0x1e: {  	[tilespmem:s7+$0x4000] =	vst v0;
	s0 =	simm.s32 $0x40;
	s7 =	simm.s32 $0x0  }
.LBB2_4:
0x1f: {  	p0 =	sne.s32 s0, $0xF40;
	[tilespmem:s7+$0x8188] =	vst v3;
	s7 =	smov.u32 s0;
	s0 =	sadd.s32 $0x40, s0  }
.Ltmp3:
0x20: {  	(pc) =	sbr.rel @p0 .LBB2_4-.Ltmp3, $2  }
0x21: {  	_ =	sdelay $0x2  }
0x22: {  	s7 =	sshra.s32 s7, $0x2  }
0x23: {  	[tilespmem:s7+$0x8188] =	vst v3;
	s7 =	simm.s32 $0x0;
	s0 =	simm.s32 $0x40  }
.LBB2_6:
0x24: {  	p0 =	sne.s32 s0, $0xFFC0;
	v6 =	vld [tilespmem:s7+$0x0];
	_ =	sdelay $0x4  }
0x25: {  	v6 =	vshrl.u32 v6, $0xA  }
0x26: {  	v6 =	vand.u32 $0x3FFFF0, v6  }
0x27: {  	v6 =	vor.u32 v2, v6  }
.Ltmp4:
0x28: {  	(pc) =	sbr.rel @p0 .LBB2_6-.Ltmp4, $2  }
0x29: {  	_ =	sdelay $0x2  }
0x2a: {  	s7 =	sshra.s32 s0, $0x2;
	s0 =	sadd.s32 $0x40, s0;
	[tilespmem:v6+s16+$0x0] =	vst.idx.add.s32.msk $0xffff, v4  }
0x2b: {  	v6 =	vld [tilespmem:s7+$0x0];
	_ =	sdelay $0x4  }
0x2c: {  	v6 =	vshrl.u32 v6, $0xA  }
0x2d: {  	v6 =	vand.u32 $0x3FFFF0, v6  }
0x2e: {  	v6 =	vor.u32 v2, v6;
	_ =	sdelay $0x4  }
0x2f: {  	s25 =	simm.s32 $0x0;
	[tilespmem:v6+s16+$0x0] =	vst.idx.add.s32.msk $0xffff, v4  }
0x30: {  	v8 =	vld [tilespmem:s25+$0x8188];
	_ =	sdelay $0x4  }
0x31: {  	(xrf0) =	vadd.scan.msk.s32 $0xffff, v8  }
0x32: {  	s7 =	simm.s32 $0x10  }
0x33: {  	s13 =	simm.s32 $0x20;
	v9 =	vld [tilespmem:s7+$0x8188]  }
0x34: {  	v7 =	vld [tilespmem:s13+$0x8188];
	_ =	sdelay $0x2  }
0x35: {  	v12, _, _ =	vpop (xrf0)  }
0x36: {  	(xrf0) =	vadd.scan.msk.s32 $0xffff, v9;
	(v2sf) =	vpush v12, $0xF  }
0x37: {  	(xrf0) =	vadd.scan.msk.s32 $0xffff, v7;
	_ =	sdelay $0x4  }
0x38: {  	s0 =	simm.s32 $0x30;
	v11, _, _ =	vpop (xrf0)  }
0x39: {  	v6 =	vld [tilespmem:s0+$0x8188];
	(v2sf) =	vpush v11, $0xF;
	v10, _, _ =	vpop (xrf0)  }
0x3a: {  	(v2sf) =	vpush v10, $0xF;
	_ =	sdelay $0x3  }
0x3b: {  	s24 =	simm.s32 $0x0;
	s26 =	simm.s32 $0x40;
	(xrf0) =	vadd.scan.msk.s32 $0xffff, v6  }
0x3c: {  	v13 =	vsub.s32 s24, v8;
	v8 =	vld [tilespmem:s26+$0x8188]  }
0x3d: {  	s30 =	simm.s32 $0x140  }
0x3e: {  	s29 =	rddreg [dreg:$0x7];
	s28 =	simm.s32 $0x0;
	v12 =	vadd.s32 v12, v13;
	s31 =	spop (v2sf)  }
.LBB2_8:
0x3f: {  	s14 =	sshra.s32 s30, $0x2  }
0x40: {  	p1 =	slt.u32 s29, $0x1F;
	s31 =	sadd.s32 $0x7, s31;
	p0 =	sne.s32 s30, $0xF40  }
.Ltmp5:
0x41: {  	s30 =	sadd.s32 $0x40, s30;
	(xrf0) =	vadd.scan.msk.s32 $0xffff, v8;
	v13, _, _ =	vpop (xrf0);
	v14 =	vpsel p1, v12, v5;
	s31 =	sand.u32 $0xFFFFFFF8, s31;
	(pc) =	sbr.rel @p0 .LBB2_8-.Ltmp5, $4  }
0x42: {  	v12 =	vmov v8;
	(v2sf) =	vpush v13, $0xF;
	[tilespmem:s25+$0x8568] =	vst v14;
	s31 =	simm.s32 @!p1 $0x0;
	v8 =	vld [tilespmem:s14+$0x8188];
	s25 =	smov.u32 s7;
	s7 =	smov.u32 s13  }
0x43: {  	s13 =	smov.u32 s0;
	s0 =	smov.u32 s26;
	s28 =	sadd.s32 s28, s31  }
0x44: {  	s26 =	smov.u32 s14;
	v14 =	vsub.s32 s28, v9;
	v9 =	vmovc v7;
	v7 =	vmov v6;
	v6 =	vmov v12;
	_ =	sdelay $0x1  }
0x45: {  	s29 =	sadd.s32 $0x1, s29;
	v12 =	vadd.s32 v11, v14;
	s31 =	spop (v2sf);
	v11 =	vmov v10;
	v10 =	vmov v13  }
0x46: {  	v13, _, _ =	vpop (xrf0)  }
0x47: {  	(v2sf) =	vpush v13, $0xF  }
0x48: {  	(xrf0) =	vadd.scan.msk.s32 $0xffff, v8;
	_ =	sdelay $0x5  }
0x49: {  	v14, _, _ =	vpop (xrf0)  }
0x4a: {  	(v2sf) =	vpush v14, $0xF;
	_ =	sdelay $0x1  }
0x4b: {  	s14 =	spop (v2sf);
	s30 =	sadd.s32 $0x7, s31  }
0x4c: {  	p0 =	slt.u32 s29, $0x1F;
	s29 =	sadd.s32 $0x1, s29;
	s30 =	sand.u32 $0xFFFFFFF8, s30  }
0x4d: {  	s14 =	sadd.s32 $0x7, s14;
	p1 =	slt.u32 s29, $0x1F;
	s29 =	sadd.s32 $0x1, s29  }
0x4e: {  	s30 =	simm.s32 @!p0 $0x0;
	s14 =	sand.u32 $0xFFFFFFF8, s14;
	p2 =	slt.u32 s29, $0x1F  }
0x4f: {  	s29 =	sadd.s32 $0x1, s29;
	s28 =	sadd.s32 s28, s30;
	s31 =	spop (v2sf)  }
0x50: {  	s14 =	simm.s32 @!p1 $0x0;
	s30 =	sadd.s32 $0x7, s31;
	s31 =	spop (v2sf)  }
0x51: {  	p3 =	slt.u32 s29, $0x1F;
	s30 =	sand.u32 $0xFFFFFFF8, s30;
	s31 =	sadd.s32 $0x7, s31  }
0x52: {  	s14 =	sadd.s32 s28, s14;
	v9 =	vsub.s32 s28, v9;
	s30 =	simm.s32 @!p2 $0x0;
	s28 =	sand.u32 $0xFFFFFFF8, s31  }
0x53: {  	v12 =	vpsel p0, v12, v5;
	v7 =	vsub.s32 s14, v7;
	v9 =	vadd.s32 v11, v9;
	s14 =	sadd.s32 s14, s30;
	s28 =	simm.s32 @!p3 $0x0  }
0x54: {  	[tilespmem:s25+$0x8568] =	vst v12;
	v9 =	vpsel p1, v9, v5;
	v7 =	vadd.s32 v10, v7;
	v6 =	vsub.s32 s14, v6;
	s14 =	sadd.s32 s14, s28  }
0x55: {  	v7 =	vpsel p2, v7, v5;
	[tilespmem:s7+$0x8568] =	vst v9;
	s30 =	sadd.s32 $0x1, s29;
	v6 =	vadd.s32 v13, v6;
	v63 =	vsub.s32 s14, v8  }
0x56: {  	[tilespmem:s13+$0x8568] =	vst v7;
	p6 =	slt.u32 s30, $0x1F;
	v6 =	vpsel p3, v6, v5;
	v7 =	vadd.s32 v14, v63  }
0x57: {  	[tilespmem:s0+$0x8568] =	vst v6;
	v6 =	vpsel p6, v7, v5  }
0x58: {  	s0 =	smov.u32 s5;
	s31 =	spop (v2sf);
	[tilespmem:s26+$0x8568] =	vst v6  }
.LBB2_10:
0x59: {  	s7 =	sshra.s32 s24, $0x2  }
0x5a: {  	v6 =	vld [tilespmem:s7+$0x0];
	_ =	sdelay $0x4  }
0x5b: {  	v6 =	vshrl.u32 v6, $0xE  }
0x5c: {  	v7 =	vshll.u32 v6, $0x4  }
0x5d: {  	v7 =	vor.u32 v2, v7;
	_ =	sdelay $0x4  }
0x5e: {  	v8 =	vld.idx.msk [tilespmem:v7+s17+$0x0], $0xffff;
	_ =	sdelay $0x3  }
0x5f: {  	p0 =	sne.s32 s24, $0xFFC0  }
.Ltmp6:
0x60: {  	_ = 	snop;
	(pc) =	sbr.rel @p0 .LBB2_10-.Ltmp6, $4  }
0x61: {  	v6 =	vsub.s32 v6, v1  }
0x62: {  	vm0 =	vlt.u32 v6, $0x1F;
	v6 =	vor.u32 s0, v2  }
0x63: {  	v9 =	vsel vm0, $0x1, v3;
	[tilespmem:v8+s18+$0x0] =	vst.idx.msk $0xffff, v6  }
0x64: {  	s24 =	sadd.s32 $0x40, s24;
	s0 =	sadd.s32 $0x10, s0;
	[tilespmem:v7+s17+$0x0] =	vst.idx.add.s32.msk $0xffff, v9  }
.Ltmp7:
0x65: {  	(pc) =	sbr.rel .LBB2_12-.Ltmp7, $2  }
0x66: {  	_ =	sdelay $0x2  }
0x67: {  	s24 =	simm.s32 $0x0;
	s25 =	simm.s32 $0x0  }
.LBB2_15:
0x68: {  	p3 =	por @p0 $0x0, $0x0  }
0x69: {  	p2 =	por @!p2 $0x1, $0x1;
	p1 =	por !p1, !p0;
	[bflag:$0x0] =	sbarrier.arrive $0xFFFF  }
0x6a: {  	s0 =	sadd.s32 @!p0 s26, s11;
	p2 =	por @!p1 p3, p3;
	p1 =	por @!p0 $0x0, $0x0  }
0x6b: {  	[hbm:s0], [sflag:s29] =	dma.local @!p0 [spmem:s30], $0x2000  }
0x6c: {  	s25 =	sadd.s32 $0x1, s25;
	p2 =	por @!p0 p1, p1;
	_ =	swait.ge @!p0 [sflag:s28], $0x2000  }
0x6d: {  	[sflag:s28] =	ssyncset.done @!p0 $0x0;
	s0 =	sshll.u32 @p2 s2, $0x6;
	s7 =	sshrl.u32 @p2 s1, $0x3  }
0x6e: {  	[sflag:s28] =	ssyncadd.s32 @!p0 $0xFFFFE000;
	s0 =	sor.u32 @p2 $0x1C02, s0;
	p0 =	sne.s32 s25, $0x1F  }
0x6f: {  	[hbm:s12], [sflag:s0] =	dma.local @p2 [spmem:s7], $0x1200  }
.Ltmp8:
0x70: {  	_ = 	snop;
	(pc) =	sbr.rel @!p0 .LBB2_16-.Ltmp8, $4  }
0x71: {  	s0 =	simm.s32 @p2 $0x2  }
0x72: {  	s31 =	sadd.s32 $0x7, s31;
	_ =	swait.ge @p2 [sflag:s0], $0x1200  }
0x73: {  	s7 =	sand.u32 $0xFFFFFFF8, s31;
	[sflag:s0] =	ssyncset.done @p2 $0x0  }
0x74: {  	s24 =	sadd.s32 s24, s7;
	[sflag:s0] =	ssyncadd.s32 @p2 $0xFFFFEE00  }
.LBB2_12:
0x75: {  	s0 =	sadd.s32 s6, s25  }
0x76: {  	p0 =	sgt.u32 s0, $0x3C  }
0x77: {  	p1 =	sne.s32 @p0 s2, $0x0  }
0x78: {  	p2 =	por p1, !p0  }
0x79: {  	s7 =	sshrl.u32 @!p2 s1, $0x3;
	s13 =	simm.s32 @!p2 $0x1C02  }
0x7a: {  	[spmem:s7], [sflag:s13] =	dma.local @!p2 [hbm:s8], $0x1200  }
0x7b: {  	s7 =	simm.s32 @!p2 $0x2  }
0x7c: {  	_ =	swait.ge @!p2 [sflag:s7], $0x1200  }
0x7d: {  	s26 =	sshll.u32 @!p0 s0, $0x11;
	[sflag:s7] =	ssyncset.done @!p2 $0x0  }
0x7e: {  	s30 =	sshrl.u32 @!p0 s9, $0x3;
	[sflag:s7] =	ssyncadd.s32 @!p2 $0xFFFFEE00;
	s7 =	sshll.u32 @!p0 s2, $0x6  }
0x7f: {  	s28 =	simm.s32 @!p0 $0x2;
	s13 =	sadd.s32 @!p0 s26, s10;
	s29 =	sor.u32 @!p0 $0x1C02, s7  }
0x80: {  	[spmem:s30], [sflag:s29] =	dma.local @!p0 [hbm:s13], $0x2000  }
0x81: {  	_ =	swait.ge @!p0 [sflag:s28], $0x2000  }
0x82: {  	[sflag:s28] =	ssyncset.done @!p0 $0x0  }
0x83: {  	s14 =	sshll.u32 s0, $0x4;
	[sflag:s28] =	ssyncadd.s32 @!p0 $0xFFFFE000  }
0x84: {  	s7 =	sand.u32 $0x3FFFFFF0, s14;
	[bflag:$0x0] =	sbarrier.arrive $0xFFFF  }
0x85: {  	v6 =	vld [tilespmem:s7+$0x8188];
	_ =	sdelay $0x4  }
0x86: {  	(xrf0) =	vadd.scan.msk.s32 $0xffff, v6;
	_ =	sdelay $0x5  }
0x87: {  	v6, _, _ =	vpop (xrf0)  }
0x88: {  	(v2sf) =	vpush v6, $0xF;
	_ =	sdelay $0xe  }
0x89: {  	s31 =	spop (v2sf)  }
0x8a: {  	s7 =	sadd.s32 $0x7F, s31  }
0x8b: {  	p3 =	slt.s32 s7, $0x80  }
.Ltmp9:
0x8c: {  	_ = 	snop;
	(pc) =	sbr.rel @p3 .LBB2_15-.Ltmp9, $1  }
0x8d: {  	_ =	sdelay $0x3  }
0x8e: {  	s13 =	sshra.s32 s7, $0x1F  }
0x8f: {  	s14 =	sshll.u32 s0, $0xE;
	s0 =	sshrl.u32 s13, $0x19;
	s13 =	sshll.u32 s24, $0x2  }
0x90: {  	s0 =	sadd.s32 s0, s7;
	s7 =	sadd.s32 s24, s31;
	s13 =	sshra.s32 s13, $0x2  }
0x91: {  	v6 =	vmov s14;
	s0 =	sshra.s32 s0, $0x7;
	v7 =	vmov s7;
	s7 =	sadd.s32 $0x4000, s13;
	s13 =	sadd.s32 $0x70, s24  }
.LBB2_14:
0x92: {  	v8 =	vld [tilespmem:s7+$0x0];
	_ =	sdelay $0x4  }
0x93: {  	v9 =	vsub.s32 v8, v0  }
0x94: {  	v8 =	vand.u32 $0x7, v8;
	v9 =	vand.u32 $0xFFFFFFF8, v9  }
0x95: {  	v8 =	vor.u32 v8, v9;
	_ =	sdelay $0x4  }
0x96: {  	v8 =	vld.idx.msk [tilespmem:v8+s3+$0x0], $0xffff;
	_ =	sdelay $0x2  }
0x97: {  	s14 =	sadd.s32 $0xFFFFFF90, s13  }
0x98: {  	v49 =	vadd.s32 s14, v2  }
0x99: {  	vm0 =	vlt.s32 v49, v7;
	v8 =	vsub.s32 v8, v6  }
0x9a: {  	v8 =	vnsel vm0, $0x4000, v8  }
0x9b: {  	[tilespmem:$0x8948] =	vst v8  }
0x9c: {  	v8 =	vld [tilespmem:s7+$0x10];
	_ =	sdelay $0x4  }
0x9d: {  	v50 =	vsub.s32 v8, v0  }
0x9e: {  	v8 =	vand.u32 $0x7, v8;
	v9 =	vand.u32 $0xFFFFFFF8, v50  }
0x9f: {  	v8 =	vor.u32 v8, v9;
	_ =	sdelay $0x4  }
0xa0: {  	v8 =	vld.idx.msk [tilespmem:v8+s3+$0x0], $0xffff;
	_ =	sdelay $0x2  }
0xa1: {  	s14 =	sadd.s32 $0xFFFFFFA0, s13  }
0xa2: {  	v51 =	vadd.s32 s14, v2  }
0xa3: {  	vm9 =	vlt.s32 v51, v7;
	v8 =	vsub.s32 v8, v6  }
0xa4: {  	v8 =	vnsel vm9, $0x4000, v8  }
0xa5: {  	[tilespmem:$0x8958] =	vst v8  }
0xa6: {  	v8 =	vld [tilespmem:s7+$0x20];
	_ =	sdelay $0x4  }
0xa7: {  	v52 =	vsub.s32 v8, v0  }
0xa8: {  	v8 =	vand.u32 $0x7, v8;
	v9 =	vand.u32 $0xFFFFFFF8, v52  }
0xa9: {  	v8 =	vor.u32 v8, v9;
	_ =	sdelay $0x4  }
0xaa: {  	v8 =	vld.idx.msk [tilespmem:v8+s3+$0x0], $0xffff;
	_ =	sdelay $0x2  }
0xab: {  	s14 =	sadd.s32 $0xFFFFFFB0, s13  }
0xac: {  	v53 =	vadd.s32 s14, v2  }
0xad: {  	vm10 =	vlt.s32 v53, v7;
	v8 =	vsub.s32 v8, v6  }
0xae: {  	v8 =	vnsel vm10, $0x4000, v8  }
0xaf: {  	[tilespmem:$0x8968] =	vst v8  }
0xb0: {  	v8 =	vld [tilespmem:s7+$0x30];
	_ =	sdelay $0x4  }
0xb1: {  	v54 =	vsub.s32 v8, v0  }
0xb2: {  	v8 =	vand.u32 $0x7, v8;
	v9 =	vand.u32 $0xFFFFFFF8, v54  }
0xb3: {  	v8 =	vor.u32 v8, v9;
	_ =	sdelay $0x4  }
0xb4: {  	v8 =	vld.idx.msk [tilespmem:v8+s3+$0x0], $0xffff;
	_ =	sdelay $0x2  }
0xb5: {  	s14 =	sadd.s32 $0xFFFFFFC0, s13  }
0xb6: {  	v55 =	vadd.s32 s14, v2  }
0xb7: {  	vm11 =	vlt.s32 v55, v7;
	v8 =	vsub.s32 v8, v6  }
0xb8: {  	v8 =	vnsel vm11, $0x4000, v8  }
0xb9: {  	[tilespmem:$0x8978] =	vst v8  }
0xba: {  	v8 =	vld [tilespmem:s7+$0x40];
	_ =	sdelay $0x4  }
0xbb: {  	v56 =	vsub.s32 v8, v0  }
0xbc: {  	v8 =	vand.u32 $0x7, v8;
	v9 =	vand.u32 $0xFFFFFFF8, v56  }
0xbd: {  	v8 =	vor.u32 v8, v9;
	_ =	sdelay $0x4  }
0xbe: {  	v8 =	vld.idx.msk [tilespmem:v8+s3+$0x0], $0xffff;
	_ =	sdelay $0x2  }
0xbf: {  	s14 =	sadd.s32 $0xFFFFFFD0, s13  }
0xc0: {  	v57 =	vadd.s32 s14, v2  }
0xc1: {  	vm12 =	vlt.s32 v57, v7;
	v8 =	vsub.s32 v8, v6  }
0xc2: {  	v8 =	vnsel vm12, $0x4000, v8  }
0xc3: {  	[tilespmem:$0x8988] =	vst v8  }
0xc4: {  	v8 =	vld [tilespmem:s7+$0x50];
	_ =	sdelay $0x4  }
0xc5: {  	v58 =	vsub.s32 v8, v0  }
0xc6: {  	v8 =	vand.u32 $0x7, v8;
	v9 =	vand.u32 $0xFFFFFFF8, v58  }
0xc7: {  	v8 =	vor.u32 v8, v9;
	_ =	sdelay $0x4  }
0xc8: {  	v8 =	vld.idx.msk [tilespmem:v8+s3+$0x0], $0xffff;
	_ =	sdelay $0x2  }
0xc9: {  	s14 =	sadd.s32 $0xFFFFFFE0, s13  }
0xca: {  	v59 =	vadd.s32 s14, v2  }
0xcb: {  	vm13 =	vlt.s32 v59, v7;
	v8 =	vsub.s32 v8, v6  }
0xcc: {  	v8 =	vnsel vm13, $0x4000, v8  }
0xcd: {  	[tilespmem:$0x8998] =	vst v8  }
0xce: {  	v8 =	vld [tilespmem:s7+$0x60];
	_ =	sdelay $0x4  }
0xcf: {  	v60 =	vsub.s32 v8, v0  }
0xd0: {  	v8 =	vand.u32 $0x7, v8;
	v9 =	vand.u32 $0xFFFFFFF8, v60  }
0xd1: {  	v8 =	vor.u32 v8, v9;
	_ =	sdelay $0x4  }
0xd2: {  	v8 =	vld.idx.msk [tilespmem:v8+s3+$0x0], $0xffff;
	_ =	sdelay $0x2  }
0xd3: {  	s14 =	sadd.s32 $0xFFFFFFF0, s13  }
0xd4: {  	v61 =	vadd.s32 s14, v2  }
0xd5: {  	vm14 =	vlt.s32 v61, v7;
	v8 =	vsub.s32 v8, v6  }
0xd6: {  	v8 =	vnsel vm14, $0x4000, v8  }
0xd7: {  	[tilespmem:$0x89A8] =	vst v8  }
0xd8: {  	v8 =	vld [tilespmem:s7+$0x70];
	_ =	sdelay $0x4  }
0xd9: {  	v62 =	vsub.s32 v8, v0  }
0xda: {  	v8 =	vand.u32 $0x7, v8;
	v9 =	vand.u32 $0xFFFFFFF8, v62  }
0xdb: {  	v8 =	vor.u32 v8, v9;
	_ =	sdelay $0x4  }
0xdc: {  	v8 =	vld.idx.msk [tilespmem:v8+s3+$0x0], $0xffff;
	_ =	sdelay $0x3  }
0xdd: {  	v63 =	vadd.s32 s13, v2  }
0xde: {  	vm15 =	vlt.s32 v63, v7;
	v8 =	vsub.s32 v8, v6  }
0xdf: {  	v8 =	vnsel vm15, $0x4000, v8  }
0xe0: {  	[tilespmem:$0x89B8] =	vst v8  }
0xe1: {  	[tilespmem:s20], [sflag:$0x1] =	stream.indirect.gather [hbm4b:s4+s19], $0x40, s7, s19, $0xb8;
	[tilespmem:$0x1A9D0] =	vst v63  }
0xe2: {  	_ =	swait.ge [sflag:s21], $0x2000  }
0xe3: {  	p3 =	sne.s32 s0, $0x1;
	[sflag:s21] =	ssyncset.done $0x0  }
.Ltmp10:
0xe4: {  	[sflag:s21] =	ssyncadd.s32 $0xFFFFE000;
	(pc) =	sbr.rel @p3 .LBB2_14-.Ltmp10, $4  }
0xe5: {  	[spmem:s1] =	stream.indirect.scatter.add.f32 [tilespmem:s20], [sflag:$0x2], $0x40, s22, s19, $0xb8;
	[tilespmem:$0x1A9D0] =	vst v63  }
0xe6: {  	_ =	swait.ge [sflag:s15], $0x2000  }
0xe7: {  	s0 =	sadd.s32 $0xFFFFFFFF, s0;
	[sflag:s15] =	ssyncset.done $0x0  }
0xe8: {  	s13 =	sadd.s32 $0x80, s13;
	s7 =	sadd.s32 $0x80, s7;
	[sflag:s15] =	ssyncadd.s32 $0xFFFFE000  }
.Ltmp11:
0xe9: {  	_ = 	snop;
	(pc) =	sbr.rel .LBB2_15-.Ltmp11, $1  }
0xea: {  	_ =	sdelay $0x3  }
.LBB2_17:
0xeb: {  	_ =	sfence.sel $0x180000  }
0xec: {  	[bflag:$0x0] =	sbarrier.arrive $0xFFFF  }
0xed: {  	_ =	strace $0x90000047  }
0xee: {  	[bflag:$0x2] =	sbarrier.arrive $0xFFFF  }
0xef: {  	p0 =	sne.s32 s2, $0x0;
	s0 =	rddreg [dreg:$0x4]  }
0xf0: {  	s0 =	sadd.s32 @!p0 $0x100000, s0  }
0xf1: {  	[sflag:s0] =	ssyncadd.tile.s32 @!p0 $0x1;
	_ =	shalt  }
.Lfunc_end2:
_tile_overlayer_lowered:
.L_overlay_start_2:
0xf2: {  	(tag) =	ssettag $0x2  }
0xf3: {  	s0 =	rddreg [dreg:$0x0];
	s2 =	stileid.u32  }
0xf4: {  	s1 =	rddreg [dreg:$0x1];
	p0 =	sne.s32 s2, $0x0  }
0xf5: {  	s3 =	rddreg [dreg:$0x2];
	[bflag:$0x3] =	sbarrier.arrive $0xFFFF;
	s2 =	simm.s32 @!p0 $0x1C02  }
0xf6: {  	[timem:s3], [sflag:s2] =	dma.local @!p0 [hbm:s0], s1  }
0xf7: {  	s0 =	simm.s32 @!p0 $0x2  }
0xf8: {  	_ =	swait.ge @!p0 [sflag:s0], s1  }
0xf9: {  	s1 =	ssub.s32 @!p0 $0x0, s1;
	[sflag:s0] =	ssyncset.done @!p0 $0x0  }
0xfa: {  	[sflag:s0] =	ssyncadd.s32 @!p0 s1  }
0xfb: {  	[bflag:$0x3] =	sbarrier.arrive $0xFFFF  }
0xfc: {  	_ =	shalt  }

// kernel: sparse-core-data-format-call.cloned.1.call-start
scs
called_computation_lowered:
.L_overlay_start_0:
0x0: {  	s2 =	sld [smem:$0x3FD9]  }
0x1: {  	s3 =	sld [smem:$0x3FFE];
	_ =	sdelay $0x1  }
0x2: {  	s1 =	srdreg.scid  }
0x3: {  	s0 =	sand.u32 $0x1, s1  }
0x4: {  	s18 =	sshll.u32 s0, $0xA;
	s2 =	sadd.s32 s3, s2  }
0x5: {  	s2 =	sadd.s32 s2, s18  }
0x6: {  	[smem:$0x3FC5] =	sst s2  }
0x7: {  	_ = 	snop  }
0x8: {  	s2 =	sld [smem:$0x3FD0];
	(tm) =	ssettm $0x1  }
0x9: {  	s19 =	sld [smem:$0x3FFB];
	_ =	sdelay $0x3  }
0xa: {  	_ =	strace s19  }
0xb: {  	s3 =	sld [smem:$0x3FFC];
	_ =	sdelay $0x3  }
0xc: {  	_ =	strace s3  }
0xd: {  	s3 =	sld [smem:$0x3FFD];
	_ =	sdelay $0x3  }
0xe: {  	_ =	strace s3  }
0xf: {  	_ =	strace $0x8FFFFFFF  }
0x10: {  	s20 =	sld [smem:$0x3FDB];
	_ =	sdelay $0x1  }
0x11: {  	s4 =	simm.s32 $_scs_section_size  }
0x12: {  	s5 =	simm.s32 $_size__tile_overlayer_lowered;
	s6 =	simm.s32 $_tile_overlayer_lowered  }
0x13: {  	s23 =	simm.s32 $0x1BFF;
	s22 =	sshll.u32 s6, $0x1;
	s3 =	sadd.s32 s4, s20  }
0x14: {  	s7 =	simm.s32 $0x0;
	s21 =	sshll.u32 s5, $0x1;
	s5 =	sadd.s32 s22, s3  }
0x15: {  	[timem:s7], [sflag:s23] =	dma.local [hbm:s5], s21  }
0x16: {  	_ =	swait.ge [sflag:s23], s21  }
0x17: {  	s4 =	ssub.s32 $0x0, s21;
	[sflag:s23] =	ssyncset.done $0x0  }
0x18: {  	[sflag:s23] =	ssyncadd.s32 s4;
	_ =	sdelay $0x1  }
0x19: {  	s24 =	simm.s32 $0x1B8B  }
0x1a: {  	_ =	swait.ge [sflag:s24], $0x1  }
0x1b: {  	[sflag:s24] =	ssyncset.done $0x0  }
0x1c: {  	s26 =	simm.s32 $0x1B8E;
	s25 =	sld [smem:$0x3FFE];
	[sflag:s24] =	ssyncadd.s32 $0xFFFFFFFF  }
0x1d: {  	s27 =	simm.s32 $execute0_lowered;
	[smem:$0x3FD2] =	sst s26  }
0x1e: {  	s5 =	sshll.u32 s27, $0x1;
	_ =	strace $0x80000049;
	[dreg:$0x1] =	wrdreg $0xFFFFFFFF  }
0x1f: {  	s28 =	simm.s32 $_size_execute0_lowered;
	s3 =	sadd.s32 s3, s5;
	[dreg:$0x0] =	wrdreg $0x0  }
0x20: {  	s5 =	sshll.u32 s28, $0x1;
	[dreg:$0x2] =	wrdreg s3  }
0x21: {  	[dreg:$0x3] =	wrdreg s5  }
0x22: {  	[dreg:$0x4] =	wrdreg $0xC0  }
0x23: {  	_ =	task [dreg:s7], $0x5FFFF  }
0x24: {  	[dreg:$0x1] =	wrdreg $0xFFFFFFFF  }
0x25: {  	[dreg:$0x0] =	wrdreg $0x60  }
0x26: {  	[dreg:$0x2] =	wrdreg s25  }
0x27: {  	[dreg:$0x3] =	wrdreg s2  }
0x28: {  	[dreg:$0x4] =	wrdreg $0x9  }
0x29: {  	_ =	task.clear_ibuf [dreg:s7], $0x5FFFF;
	_ =	strace $0x90000049  }
0x2a: {  	s29 =	simm.s32 $0x9;
	_ =	strace $0x8000004B  }
0x2b: {  	_ =	swait.ge [sflag:s29], $0x1  }
0x2c: {  	[sflag:s29] =	ssyncadd.s32 $0xFFFFFFFF  }
0x2d: {  	_ =	strace $0x9000004B  }
0x2e: {  	_ =	sfence  }
0x2f: {  	s30 =	sld [smem:$0x0];
	_ =	sdelay $0x2  }
0x30: {  	s31 =	sshll.u32 s1, $0xD;
	s1 =	sshrl.u32 s1, $0x2  }
0x31: {  	s3 =	sand.u32 $0x4000, s31;
	s1 =	sadd.s32 s1, s30  }
0x32: {  	s0 =	sor.u32 s3, s0;
	s1 =	sshll.u32 s1, $0x11  }
0x33: {  	s0 =	sor.u32 s1, s0  }
0x34: {  	s0 =	sadd.s32 $0x8F2B, s0  }
0x35: {  	[sflag:s0] =	ssyncadd.remote.s32 $0x1  }
0x36: {  	_ =	sfence.sel $0xFFFF  }
0x37: {  	[dreg:$0x0] =	wrdreg $0xFFFFFFFF;
	(pc) =	sbr.abs _section_cstart, $3  }
0x38: {  	[dreg:$0x1] =	wrdreg $0xFFFFFFFF  }
0x39: {  	_ =	task.clear_ibuf [dreg:s7], $0x2FFFF;
	_ =	strace $0x9FFFFFFF  }
0x3a: {  	(tm) =	ssettm $0x7FFFFFFF  }
0x3b: {  	_ =	shalt  }
tec
execute0_lowered:
.L_overlay_start_1:
0x0: {  	(tag) =	ssettag $0x1  }
0x1: {  	s4 =	rddreg [dreg:$0x0]  }
0x2: {  	s0 =	srdreg.scid;
	s2 =	rddreg [dreg:$0x1]  }
0x3: {  	s1 =	stileid.u32;
	s5 =	simm.s32 $0x1;
	s0 =	sshll.u32 s0, $0x4  }
0x4: {  	s7 =	simm.s32 $0x2;
	s11 =	simm.s32 $0x0;
	s3 =	sand.u32 $0x10, s0  }
.Ltmp0:
0x5: {  	p0 =	por $0x0, $0x0;
	s3 =	sor.u32 s1, s3;
	(pc) =	sbr.rel .LBB1_1-.Ltmp0, $4  }
0x6: {  	s8 =	simm.s32 $0x7A1400;
	s10 =	simm.s32 $0x0;
	s3 =	sshll.u32 s3, $0x7  }
0x7: {  	s0 =	rddreg [dreg:$0x2];
	_ =	strace $0x8000004A;
	s6 =	ssub.s32 $0xF4200, s3  }
0x8: {  	s4 =	sadd.s32 $0x9A1A00, s4;
	[sflag:s5] =	ssyncpa.u1 $0x0;
	s6 =	sshrl.u32 s6, $0xC  }
0x9: {  	[sflag:s7] =	ssyncpa.u1 $0x0;
	s9 =	smov.u32 s3;
	s7 =	sadd.s32 $0x2, s6  }
.LBB1_5:
0xa: {  	s13 =	sadd.s32 $0x1000, s9  }
0xb: {  	p2 =	sgt.s32 s13, $0xF423F  }
0xc: {  	s13 =	smov.u32 @p2 s3;
	p2 =	sne.s32 s10, s7  }
.Ltmp1:
0xd: {  	p1 =	slt.u32 s10, $0x2;
	(pc) =	sbr.rel @!p2 .LBB1_6-.Ltmp1, $4  }
0xe: {  	s12 =	simm.s32 @!p1 $0x2  }
0xf: {  	s14 =	sadd.s32 $0x1, s10;
	_ =	swait.ge @!p1 [sflag:s12], $0x2000  }
0x10: {  	s11 =	smov.u32 s9;
	p0 =	por !p0, !p0;
	[sflag:s12] =	ssyncset.done @!p1 $0x0  }
0x11: {  	s10 =	smov.u32 s14;
	s9 =	smov.u32 s13;
	[sflag:s12] =	ssyncadd.s32 @!p1 $0xFFFFE000  }
.LBB1_1:
0x12: {  	p1 =	sgt.u32 s10, s6  }
0x13: {  	s13 =	smov.u32 s9;
	p2 =	sgt.s32 @!p1 s9, $0xF41C0  }
0x14: {  	s12 =	sand.u32 @!p1 $0x1FFFFFF, s9;
	s14 =	sshra.s32 @!p1 s9, $0x1F;
	p2 =	por !p2, p1  }
0x15: {  	s15 =	smulhi.u32 @!p1 $0x218DEF5, s12;
	s14 =	sand.u32 @!p1 s14, s9;
	s13 =	simm.s32 @p2 $0xF41C0  }
0x16: {  	s13 =	ssub.s32 @!p1 s13, s14  }
0x17: {  	s14 =	sshrl.u32 @!p1 s15, $0xD;
	s13 =	sadd.s32 @!p1 $0xFFF0BE40, s13  }
0x18: {  	s15 =	sxor.u32 @!p1 $0xFFFFFFFF, s10;
	s14 =	smul.u32 @!p1 $0xF4240, s14;
	s16 =	sshll.u32 @!p1 s13, $0x8  }
0x19: {  	s15 =	sshll.u32 @!p1 s15, $0xD;
	p2 =	sgt.s32 @!p1 s13, $0x7F;
	s13 =	ssub.s32 @!p1 $0x8000, s16  }
0x1a: {  	s12 =	ssub.s32 @!p1 s12, s14;
	p2 =	por !p2, p1;
	s14 =	sand.u32 @!p1 $0x2000, s15  }
0x1b: {  	s15 =	simm.s32 @!p1 $0x40;
	s13 =	sshrl.u32 @!p1 s13, $0x2;
	s12 =	sshll.u32 @!p1 s12, $0x4  }
0x1c: {  	s16 =	simm.s32 @!p1 $0x80;
	s13 =	simm.s32 @!p2 $0x0;
	s12 =	sadd.s32 @!p1 s4, s12  }
0x1d: {  	[tilespmem:s14], [sflag:$0x1] =	stream.strided.gather @!p1 [hbm4b:s12+s15], s13, s16, s15, $0x38;
	[tilespmem:$0x8080] =	vst v63  }
0x1e: {  	p1 =	seq.s32 s10, $0x0  }
0x1f: {  	p2 =	sge.u32 @!p1 s10, s7  }
0x20: {  	p1 =	por p1, p2  }
.Ltmp2:
0x21: {  	_ = 	snop;
	(pc) =	sbr.rel @p1 .LBB1_5-.Ltmp2, $1  }
0x22: {  	_ =	sdelay $0x3  }
0x23: {  	p1 =	sgt.s32 s11, $0xF41C0;
	s12 =	smov.u32 s11;
	s13 =	sshra.s32 s11, $0x1F  }
0x24: {  	s12 =	simm.s32 @!p1 $0xF41C0;
	s13 =	sand.u32 s13, s11  }
0x25: {  	s12 =	ssub.s32 s12, s13  }
0x26: {  	s12 =	sadd.s32 $0xFFF0BE40, s12  }
0x27: {  	s28 =	sshll.u32 s12, $0x8  }
0x28: {  	s13 =	ssub.s32 $0x8000, s28  }
0x29: {  	p1 =	sgt.s32 s12, $0x7F;
	s12 =	sshrl.u32 s13, $0x2  }
0x2a: {  	s13 =	simm.s32 $0x1;
	s12 =	simm.s32 @p1 $0x0  }
0x2b: {  	s13 =	simm.s32 @!p0 $0x0;
	_ =	swait.ge [sflag:s5], s12  }
0x2c: {  	s14 =	sshll.u32 s13, $0xD;
	s12 =	ssub.s32 $0x0, s12;
	[sflag:s5] =	ssyncset.done $0x0  }
0x2d: {  	s16 =	sor.u32 $0x20, s14;
	[sflag:s5] =	ssyncadd.s32 s12  }
0x2e: {  	s29 =	smul.u32 $0x8100, s13;
	v3 =	vld [tilespmem:s16+$0x10]  }
0x2f: {  	s30 =	sand.u32 $0x1, s10;
	v2 =	vld [tilespmem:s16+$0xFFFFFFF0]  }
0x30: {  	s13 =	smul.u32 $0x8100, s30;
	s12 =	sshrl.u32 s29, $0x2;
	v0 =	vld [tilespmem:s16+$0x0]  }
0x31: {  	s14 =	sor.u32 $0x4000, s12;
	v1 =	vld [tilespmem:s16+$0xFFFFFFE0]  }
0x32: {  	s31 =	sshrl.u32 s13, $0x2;
	s13 =	sadd.s32 $0x0, s14  }
0x33: {  	s15 =	simm.s32 $0x4;
	s12 =	sor.u32 $0x4000, s31;
	s16 =	sadd.s32 $0x40, s16;
	[tilespmem:s13+$0x1830 ss:$0x81] =	vst.msk $0xffff, v3  }
.LBB1_3:
0x34: {  	v3 =	vld [tilespmem:s16+$0x10];
	p1 =	sne.s32 s15, $0x1FC;
	[tilespmem:s13+$0x810 ss:$0x81] =	vst.msk $0xffff, v2;
	s17 =	smov.u32 s15;
	s15 =	sadd.s32 $0x4, s15  }
.Ltmp3:
0x35: {  	v2 =	vld [tilespmem:s16+$0xFFFFFFF0];
	[tilespmem:s13+$0x1020 ss:$0x81] =	vst.msk $0xffff, v0;
	(pc) =	sbr.rel @p1 .LBB1_3-.Ltmp3, $4  }
0x36: {  	v0 =	vld [tilespmem:s16+$0x0];
	[tilespmem:s13+$0x0 ss:$0x81] =	vst.msk $0xffff, v1  }
0x37: {  	s13 =	sshra.s32 s17, $0x2;
	v1 =	vld [tilespmem:s16+$0xFFFFFFE0]  }
0x38: {  	s13 =	sadd.s32 s13, s14  }
0x39: {  	s16 =	sadd.s32 $0x40, s16;
	[tilespmem:s13+$0x1830 ss:$0x81] =	vst.msk $0xffff, v3  }
0x3a: {  	s14 =	sshll.u32 s11, $0x3  }
0x3b: {  	s30 =	sand.u32 $0x7F, s11;
	s14 =	sand.u32 $0xFFFFFC00, s14  }
0x3c: {  	s11 =	sor.u32 s30, s14  }
0x3d: {  	s15 =	smulhi.u32 $0x218D6287, s11;
	_ =	sdelay $0x1  }
0x3e: {  	s14 =	smulhi.u32 $0x218D6287, s14;
	s15 =	sshrl.u32 s15, $0x11  }
0x3f: {  	s15 =	smul.u32 $0xF4280, s15  }
0x40: {  	s14 =	sshrl.u32 s14, $0x11  }
.Ltmp4:
0x41: {  	s14 =	sand.u32 $0x3F, s14;
	s11 =	ssub.s32 s11, s15;
	(pc) =	sbr.rel .LBB1_5-.Ltmp4, $4  }
0x42: {  	[tilespmem:s13+$0x810 ss:$0x81] =	vst.msk $0xffff, v2;
	s14 =	smul.u32 $0x1E850, s14;
	s15 =	sshrl.u32 s11, $0x3;
	s11 =	sand.u32 $0x7, s11  }
0x43: {  	[tilespmem:s13+$0x1020 ss:$0x81] =	vst.msk $0xffff, v0;
	s15 =	sadd.s32 s2, s15;
	s11 =	sshll.u32 s11, $0x12  }
0x44: {  	[tilespmem:s13+$0x0 ss:$0x81] =	vst.msk $0xffff, v1;
	s31 =	sadd.s32 s14, s15;
	s11 =	sor.u32 $0x400, s11  }
0x45: {  	[hbm4b:s31+s11] =	stream.strided.scatter [tilespmem:s12], [sflag:$0x2], $0x2000, s8, s11, $0x20;
	[tilespmem:$0x8080] =	vst v63  }
.LBB1_6:
0x46: {  	_ =	sfence.sel $0x180000  }
0x47: {  	s2 =	simm.s32 $0x1;
	[bflag:$0x0] =	sbarrier.arrive $0xFFFF  }
0x48: {  	s31 =	simm.s32 $0x2;
	[sflag:s2] =	ssyncpa.u1 $0x1  }
0x49: {  	[sflag:s31] =	ssyncpa.u1 $0x1  }
0x4a: {  	p0 =	sne.s32 s1, $0x0;
	_ =	strace $0x9000004A  }
0x4b: {  	s0 =	sadd.s32 @!p0 $0x100000, s0;
	[bflag:$0x2] =	sbarrier.arrive $0xFFFF  }
0x4c: {  	[sflag:s0] =	ssyncadd.tile.s32 @!p0 $0x1;
	_ =	shalt  }
.Lfunc_end1:
_tile_overlayer_lowered:
.L_overlay_start_2:
0x4d: {  	(tag) =	ssettag $0x2  }
0x4e: {  	s0 =	rddreg [dreg:$0x0];
	s2 =	stileid.u32  }
0x4f: {  	s1 =	rddreg [dreg:$0x1];
	p0 =	sne.s32 s2, $0x0  }
0x50: {  	s3 =	rddreg [dreg:$0x2];
	[bflag:$0x3] =	sbarrier.arrive $0xFFFF;
	s2 =	simm.s32 @!p0 $0x1C01  }
0x51: {  	[timem:s3], [sflag:s2] =	dma.local @!p0 [hbm:s0], s1  }
0x52: {  	s0 =	simm.s32 @!p0 $0x1  }
0x53: {  	_ =	swait.ge @!p0 [sflag:s0], s1  }
0x54: {  	s1 =	ssub.s32 @!p0 $0x0, s1;
	[sflag:s0] =	ssyncset.done @!p0 $0x0  }
0x55: {  	[sflag:s0] =	ssyncadd.s32 @!p0 s1  }
0x56: {  	[bflag:$0x3] =	sbarrier.arrive $0xFFFF  }
0x57: {  	_ =	shalt  }

</sc_bundles>
